<compile_context>
chip_gen: v7x
topology: tpu7x:2x2x1
jax: 0.10.2.dev20260603
libtpu: 0.0.44.dev20260713+nightly
codegen_flags: <defaults>
</compile_context>

<pallas_src>
import functools

import jax
import jax.numpy as jnp
from jax import lax
from jax.experimental import pallas as pl
from jax.experimental.pallas import tpu as pltpu
from jax.experimental.pallas import tpu_sc as plsc

V_MIN = -10.0
V_MAX = 10.0
ATOMS = 51
DZ = (V_MAX - V_MIN) / (ATOMS - 1)
N = 1048576
W = 128

NC = 2
NS = 16
NW = NC * NS
ROWS_W = N // NW
C = 128
NCHUNK = ROWS_W // C
G = C // 16
NBUF = 4

_mesh = plsc.VectorSubcoreMesh(
    core_axis_name="c", subcore_axis_name="s", num_cores=NC, num_subcores=NS
)


@functools.partial(
    pl.kernel,
    out_type=jax.ShapeDtypeStruct((N, W), jnp.float32),
    mesh=_mesh,
    scratch_types=[
        pltpu.VMEM((ROWS_W,), jnp.float32),
    ]
    + [pltpu.VMEM((C, W), jnp.float32) for _ in range(NBUF)]
    + [pltpu.VMEM((2, C), jnp.int32) for _ in range(NBUF)]
    + [pltpu.SemaphoreType.DMA for _ in range(NBUF)],
    compiler_params=pltpu.CompilerParams(needs_layout_passes=False),
)
def _c51_sc(s_hbm, out_hbm, s_v, *rest):
    o_bufs = rest[:NBUF]
    i_bufs = rest[NBUF:2 * NBUF]
    sos = rest[2 * NBUF:]
    wid = lax.axis_index("s") * NC + lax.axis_index("c")
    base = wid * ROWS_W
    lanes = lax.iota(jnp.int32, 16)
    lanes128 = lanes * W
    zeros16 = jnp.zeros((16,), jnp.float32)

    def o_dst(cc):
        off = pl.multiple_of(base + cc * C, 8)
        return out_hbm.at[pl.ds(off, C)]

    def scatter2d(o_v, idx, val):
        plsc.store_scatter(
            o_v,
            [lax.shift_right_logical(idx, 7), lax.bitwise_and(idx, 127)],
            val,
        )

    for o_v in o_bufs:
        @pl.loop(0, C)
        def _zrow(r, o_v=o_v):
            for c0 in range(0, W, 16):
                o_v[r, pl.ds(c0, 16)] = zeros16

    pltpu.sync_copy(s_hbm.at[pl.ds(base, ROWS_W)], s_v)

    @pl.loop(0, NCHUNK, step=NBUF)
    def _chunk(c):
        for b in range(NBUF):
            cc = c + b
            o_v, i_v, so = o_bufs[b], i_bufs[b], sos[b]

            @pl.when(cc >= NBUF)
            def _():
                pltpu.make_async_copy(o_v, o_dst(cc), so).wait()

                @pl.loop(0, G)
                def _clean(g):
                    scatter2d(o_v, i_v[0, pl.ds(g * 16, 16)], zeros16)
                    scatter2d(o_v, i_v[1, pl.ds(g * 16, 16)], zeros16)

            @pl.loop(0, G)
            def _group(g):
                sv = s_v[pl.ds(cc * C + g * 16, 16)]
                t = jnp.minimum(jnp.maximum(sv, V_MIN), V_MAX)
                bv = (t - V_MIN) / jnp.float32(DZ)
                lv = bv.astype(jnp.int32)
                frac = bv - lv.astype(jnp.float32)
                lower = 1.0 - frac
                upper = jnp.where(bv < jnp.float32(ATOMS - 1), frac, 0.0)
                idx_l = lanes128 + g * (16 * W) + lv
                idx_u = idx_l + 1
                scatter2d(o_v, idx_u, upper)
                scatter2d(o_v, idx_l, lower)
                i_v[0, pl.ds(g * 16, 16)] = idx_l
                i_v[1, pl.ds(g * 16, 16)] = idx_u

            pltpu.async_copy(o_v, o_dst(cc), so)

    for b in range(NBUF):
        pltpu.make_async_copy(
            o_bufs[b], o_dst(NCHUNK - NBUF + b), sos[b]
        ).wait()


def kernel(scalar):
    return _c51_sc(scalar)[:, :ATOMS]

# --- scband reference (transcript-rebuilt; emitter-appended) ---
"""Pipeline reference for scband-c51-support-28209345200248 (READ-ONLY COPY).

The authoritative reference and input builder live on the scoring server;
editing this copy changes nothing except your own understanding.
"""

import jax, jax.numpy as jnp
import numpy as np

V_MIN = -10.0
V_MAX = 10.0
NUM_ATOMS = 51
DELTA_Z = (V_MAX - V_MIN) / (NUM_ATOMS - 1)
N = 1048576


def setup_inputs(seed: int = 0) -> dict:
    key = jax.random.key(seed)
    # randn scaled to sit mostly inside [v_min, v_max] like realistic returns
    scalar = jax.random.normal(key, (N,), dtype=jnp.float32) * 3.0
    return {"scalar": scalar}


def reference(scalar):
    # C51Support.scalar_to_target: project scalars onto fixed linear support
    target = jnp.clip(scalar, V_MIN, V_MAX)
    b = (target - V_MIN) / DELTA_Z
    l = jnp.floor(b).astype(jnp.int32)
    u = jnp.ceil(b).astype(jnp.int32)
    # disambiguate exact-atom hits (l == u): push u one atom up
    u = jnp.where(l == u, u + 1, u)

    n = scalar.shape[0]
    batch_idx = jnp.arange(n)
    res = jnp.zeros((n, NUM_ATOMS), dtype=scalar.dtype)
    # lower-atom mass: (u - b)
    res = res.at[batch_idx, l].add(u.astype(scalar.dtype) - b)
    # upper-atom mass: (b - l), only where u is in range
    valid_u = u < NUM_ATOMS
    u_clipped = jnp.where(valid_u, u, NUM_ATOMS - 1)
    upper_mass = jnp.where(valid_u, b - l.astype(scalar.dtype), jnp.zeros_like(b))
    res = res.at[batch_idx, u_clipped].add(upper_mass)
    return res

if __name__ == "__main__":
    import jax
    _d = setup_inputs()
    print(jax.jit(kernel)(*tuple(_d.values())))

</pallas_src>

<mosaic_0001>
#map = affine_map<(d0, d1) -> (0)>
#map1 = affine_map<(d0, d1) -> (0, 0)>
module attributes {stable_mosaic.version = 14 : i64} {
  func.func @_c51_sc(%arg0: i32, %arg1: i32, %arg2: memref<1048576xf32, #tpu.memory_space<hbm>>, %arg3: memref<1048576x128xf32, #tpu.memory_space<hbm>>, %arg4: memref<32768xf32, #tpu.memory_space<vmem>>, %arg5: memref<128x128xf32, #tpu.memory_space<vmem>>, %arg6: memref<128x128xf32, #tpu.memory_space<vmem>>, %arg7: memref<128x128xf32, #tpu.memory_space<vmem>>, %arg8: memref<128x128xf32, #tpu.memory_space<vmem>>, %arg9: memref<2x128xi32, #tpu.memory_space<vmem>>, %arg10: memref<2x128xi32, #tpu.memory_space<vmem>>, %arg11: memref<2x128xi32, #tpu.memory_space<vmem>>, %arg12: memref<2x128xi32, #tpu.memory_space<vmem>>, %arg13: memref<!tpu.dma_semaphore, #tpu.memory_space<semaphore_mem>>, %arg14: memref<!tpu.dma_semaphore, #tpu.memory_space<semaphore_mem>>, %arg15: memref<!tpu.dma_semaphore, #tpu.memory_space<semaphore_mem>>, %arg16: memref<!tpu.dma_semaphore, #tpu.memory_space<semaphore_mem>>) attributes {dimension_semantics = [#tpu.dimension_semantics<core_parallel>, #tpu.dimension_semantics<subcore_parallel>], iteration_bounds = array<i64: 2, 16>, scalar_prefetch = 0 : i64, scratch_operands = 13 : i64, tpu.core_type = #tpu.core_type<sc_vector_subcore>, window_params = [{transform_indices = #map}, {transform_indices = #map1}]} {
    %mul3A = arith.constant 2 : i32
    %mul3A_0 = arith.muli %arg1, %mul3A : i32
    %add3A = arith.addi %mul3A_0, %arg0 : i32
    %mul3A_1 = arith.constant 32768 : i32
    %mul3A_2 = arith.muli %add3A, %mul3A_1 : i32
    %iota3A = tpu.iota {dimensions = array<i32: 0>} : vector<16xi32>
    %mul3A_3 = arith.constant 128 : i32
    %mul3A_4 = vector.broadcast %mul3A_3 : i32 to vector<16xi32>
    %mul3A_5 = arith.muli %iota3A, %mul3A_4 : vector<16xi32>
    %broadcast_in_dim3A = arith.constant 0.000000e+00 : f32
    %broadcast_in_dim3A_6 = vector.broadcast %broadcast_in_dim3A : f32 to vector<16xf32>
    %scan3A = arith.constant 0 : i32
    %scan3A_7 = arith.constant 128 : i32
    %scan3A_8 = arith.addi %scan3A, %scan3A_7 : i32
    %scan3A_9 = arith.constant 1 : i32
    scf.for %scan3A_57 = %scan3A to %scan3A_8 step %scan3A_9  : i32 {
      %mul3A_58 = arith.constant 1 : i32
      %mul3A_59 = arith.muli %scan3A_57, %mul3A_58 : i32
      %add3A_60 = arith.constant 0 : i32
      %add3A_61 = arith.addi %add3A_60, %mul3A_59 : i32
      %swap3A = arith.index_cast %add3A_61 : i32 to index
      %swap3A_62 = arith.constant 0 : index
      %swap3A_63 = tpu.vector_load %arg5[%swap3A, %swap3A_62] {strides = array<i32>} : memref<128x128xf32, #tpu.memory_space<vmem>>, vector<16xf32>,
      tpu.vector_store %arg5[%swap3A, %swap3A_62], %broadcast_in_dim3A_6 {strides = array<i32>} : memref<128x128xf32, #tpu.memory_space<vmem>>, vector<16xf32>,
      %swap3A_64 = arith.index_cast %add3A_61 : i32 to index
      %swap3A_65 = arith.constant 16 : index
      %swap3A_66 = tpu.vector_load %arg5[%swap3A_64, %swap3A_65] {strides = array<i32>} : memref<128x128xf32, #tpu.memory_space<vmem>>, vector<16xf32>,
      tpu.vector_store %arg5[%swap3A_64, %swap3A_65], %broadcast_in_dim3A_6 {strides = array<i32>} : memref<128x128xf32, #tpu.memory_space<vmem>>, vector<16xf32>,
      %swap3A_67 = arith.index_cast %add3A_61 : i32 to index
      %swap3A_68 = arith.constant 32 : index
      %swap3A_69 = tpu.vector_load %arg5[%swap3A_67, %swap3A_68] {strides = array<i32>} : memref<128x128xf32, #tpu.memory_space<vmem>>, vector<16xf32>,
      tpu.vector_store %arg5[%swap3A_67, %swap3A_68], %broadcast_in_dim3A_6 {strides = array<i32>} : memref<128x128xf32, #tpu.memory_space<vmem>>, vector<16xf32>,
      %swap3A_70 = arith.index_cast %add3A_61 : i32 to index
      %swap3A_71 = arith.constant 48 : index
      %swap3A_72 = tpu.vector_load %arg5[%swap3A_70, %swap3A_71] {strides = array<i32>} : memref<128x128xf32, #tpu.memory_space<vmem>>, vector<16xf32>,
      tpu.vector_store %arg5[%swap3A_70, %swap3A_71], %broadcast_in_dim3A_6 {strides = array<i32>} : memref<128x128xf32, #tpu.memory_space<vmem>>, vector<16xf32>,
      %swap3A_73 = arith.index_cast %add3A_61 : i32 to index
      %swap3A_74 = arith.constant 64 : index
      %swap3A_75 = tpu.vector_load %arg5[%swap3A_73, %swap3A_74] {strides = array<i32>} : memref<128x128xf32, #tpu.memory_space<vmem>>, vector<16xf32>,
      tpu.vector_store %arg5[%swap3A_73, %swap3A_74], %broadcast_in_dim3A_6 {strides = array<i32>} : memref<128x128xf32, #tpu.memory_space<vmem>>, vector<16xf32>,
      %swap3A_76 = arith.index_cast %add3A_61 : i32 to index
      %swap3A_77 = arith.constant 80 : index
      %swap3A_78 = tpu.vector_load %arg5[%swap3A_76, %swap3A_77] {strides = array<i32>} : memref<128x128xf32, #tpu.memory_space<vmem>>, vector<16xf32>,
      tpu.vector_store %arg5[%swap3A_76, %swap3A_77], %broadcast_in_dim3A_6 {strides = array<i32>} : memref<128x128xf32, #tpu.memory_space<vmem>>, vector<16xf32>,
      %swap3A_79 = arith.index_cast %add3A_61 : i32 to index
      %swap3A_80 = arith.constant 96 : index
      %swap3A_81 = tpu.vector_load %arg5[%swap3A_79, %swap3A_80] {strides = array<i32>} : memref<128x128xf32, #tpu.memory_space<vmem>>, vector<16xf32>,
      tpu.vector_store %arg5[%swap3A_79, %swap3A_80], %broadcast_in_dim3A_6 {strides = array<i32>} : memref<128x128xf32, #tpu.memory_space<vmem>>, vector<16xf32>,
      %swap3A_82 = arith.index_cast %add3A_61 : i32 to index
      %swap3A_83 = arith.constant 112 : index
      %swap3A_84 = tpu.vector_load %arg5[%swap3A_82, %swap3A_83] {strides = array<i32>} : memref<128x128xf32, #tpu.memory_space<vmem>>, vector<16xf32>,
      tpu.vector_store %arg5[%swap3A_82, %swap3A_83], %broadcast_in_dim3A_6 {strides = array<i32>} : memref<128x128xf32, #tpu.memory_space<vmem>>, vector<16xf32>,
    }
    %scan3A_10 = arith.constant 128 : i32
    %scan3A_11 = arith.constant 0 : i32
    %scan3A_12 = arith.constant 128 : i32
    %scan3A_13 = arith.addi %scan3A_11, %scan3A_12 : i32
    %scan3A_14 = arith.constant 1 : i32
    scf.for %scan3A_57 = %scan3A_11 to %scan3A_13 step %scan3A_14  : i32 {
      %mul3A_58 = arith.constant 1 : i32
      %mul3A_59 = arith.muli %scan3A_57, %mul3A_58 : i32
      %add3A_60 = arith.constant 0 : i32
      %add3A_61 = arith.addi %add3A_60, %mul3A_59 : i32
      %swap3A = arith.index_cast %add3A_61 : i32 to index
      %swap3A_62 = arith.constant 0 : index
      %swap3A_63 = tpu.vector_load %arg6[%swap3A, %swap3A_62] {strides = array<i32>} : memref<128x128xf32, #tpu.memory_space<vmem>>, vector<16xf32>,
      tpu.vector_store %arg6[%swap3A, %swap3A_62], %broadcast_in_dim3A_6 {strides = array<i32>} : memref<128x128xf32, #tpu.memory_space<vmem>>, vector<16xf32>,
      %swap3A_64 = arith.index_cast %add3A_61 : i32 to index
      %swap3A_65 = arith.constant 16 : index
      %swap3A_66 = tpu.vector_load %arg6[%swap3A_64, %swap3A_65] {strides = array<i32>} : memref<128x128xf32, #tpu.memory_space<vmem>>, vector<16xf32>,
      tpu.vector_store %arg6[%swap3A_64, %swap3A_65], %broadcast_in_dim3A_6 {strides = array<i32>} : memref<128x128xf32, #tpu.memory_space<vmem>>, vector<16xf32>,
      %swap3A_67 = arith.index_cast %add3A_61 : i32 to index
      %swap3A_68 = arith.constant 32 : index
      %swap3A_69 = tpu.vector_load %arg6[%swap3A_67, %swap3A_68] {strides = array<i32>} : memref<128x128xf32, #tpu.memory_space<vmem>>, vector<16xf32>,
      tpu.vector_store %arg6[%swap3A_67, %swap3A_68], %broadcast_in_dim3A_6 {strides = array<i32>} : memref<128x128xf32, #tpu.memory_space<vmem>>, vector<16xf32>,
      %swap3A_70 = arith.index_cast %add3A_61 : i32 to index
      %swap3A_71 = arith.constant 48 : index
      %swap3A_72 = tpu.vector_load %arg6[%swap3A_70, %swap3A_71] {strides = array<i32>} : memref<128x128xf32, #tpu.memory_space<vmem>>, vector<16xf32>,
      tpu.vector_store %arg6[%swap3A_70, %swap3A_71], %broadcast_in_dim3A_6 {strides = array<i32>} : memref<128x128xf32, #tpu.memory_space<vmem>>, vector<16xf32>,
      %swap3A_73 = arith.index_cast %add3A_61 : i32 to index
      %swap3A_74 = arith.constant 64 : index
      %swap3A_75 = tpu.vector_load %arg6[%swap3A_73, %swap3A_74] {strides = array<i32>} : memref<128x128xf32, #tpu.memory_space<vmem>>, vector<16xf32>,
      tpu.vector_store %arg6[%swap3A_73, %swap3A_74], %broadcast_in_dim3A_6 {strides = array<i32>} : memref<128x128xf32, #tpu.memory_space<vmem>>, vector<16xf32>,
      %swap3A_76 = arith.index_cast %add3A_61 : i32 to index
      %swap3A_77 = arith.constant 80 : index
      %swap3A_78 = tpu.vector_load %arg6[%swap3A_76, %swap3A_77] {strides = array<i32>} : memref<128x128xf32, #tpu.memory_space<vmem>>, vector<16xf32>,
      tpu.vector_store %arg6[%swap3A_76, %swap3A_77], %broadcast_in_dim3A_6 {strides = array<i32>} : memref<128x128xf32, #tpu.memory_space<vmem>>, vector<16xf32>,
      %swap3A_79 = arith.index_cast %add3A_61 : i32 to index
      %swap3A_80 = arith.constant 96 : index
      %swap3A_81 = tpu.vector_load %arg6[%swap3A_79, %swap3A_80] {strides = array<i32>} : memref<128x128xf32, #tpu.memory_space<vmem>>, vector<16xf32>,
      tpu.vector_store %arg6[%swap3A_79, %swap3A_80], %broadcast_in_dim3A_6 {strides = array<i32>} : memref<128x128xf32, #tpu.memory_space<vmem>>, vector<16xf32>,
      %swap3A_82 = arith.index_cast %add3A_61 : i32 to index
      %swap3A_83 = arith.constant 112 : index
      %swap3A_84 = tpu.vector_load %arg6[%swap3A_82, %swap3A_83] {strides = array<i32>} : memref<128x128xf32, #tpu.memory_space<vmem>>, vector<16xf32>,
      tpu.vector_store %arg6[%swap3A_82, %swap3A_83], %broadcast_in_dim3A_6 {strides = array<i32>} : memref<128x128xf32, #tpu.memory_space<vmem>>, vector<16xf32>,
    }
    %scan3A_15 = arith.constant 128 : i32
    %scan3A_16 = arith.constant 0 : i32
    %scan3A_17 = arith.constant 128 : i32
    %scan3A_18 = arith.addi %scan3A_16, %scan3A_17 : i32
    %scan3A_19 = arith.constant 1 : i32
    scf.for %scan3A_57 = %scan3A_16 to %scan3A_18 step %scan3A_19  : i32 {
      %mul3A_58 = arith.constant 1 : i32
      %mul3A_59 = arith.muli %scan3A_57, %mul3A_58 : i32
      %add3A_60 = arith.constant 0 : i32
      %add3A_61 = arith.addi %add3A_60, %mul3A_59 : i32
      %swap3A = arith.index_cast %add3A_61 : i32 to index
      %swap3A_62 = arith.constant 0 : index
      %swap3A_63 = tpu.vector_load %arg7[%swap3A, %swap3A_62] {strides = array<i32>} : memref<128x128xf32, #tpu.memory_space<vmem>>, vector<16xf32>,
      tpu.vector_store %arg7[%swap3A, %swap3A_62], %broadcast_in_dim3A_6 {strides = array<i32>} : memref<128x128xf32, #tpu.memory_space<vmem>>, vector<16xf32>,
      %swap3A_64 = arith.index_cast %add3A_61 : i32 to index
      %swap3A_65 = arith.constant 16 : index
      %swap3A_66 = tpu.vector_load %arg7[%swap3A_64, %swap3A_65] {strides = array<i32>} : memref<128x128xf32, #tpu.memory_space<vmem>>, vector<16xf32>,
      tpu.vector_store %arg7[%swap3A_64, %swap3A_65], %broadcast_in_dim3A_6 {strides = array<i32>} : memref<128x128xf32, #tpu.memory_space<vmem>>, vector<16xf32>,
      %swap3A_67 = arith.index_cast %add3A_61 : i32 to index
      %swap3A_68 = arith.constant 32 : index
      %swap3A_69 = tpu.vector_load %arg7[%swap3A_67, %swap3A_68] {strides = array<i32>} : memref<128x128xf32, #tpu.memory_space<vmem>>, vector<16xf32>,
      tpu.vector_store %arg7[%swap3A_67, %swap3A_68], %broadcast_in_dim3A_6 {strides = array<i32>} : memref<128x128xf32, #tpu.memory_space<vmem>>, vector<16xf32>,
      %swap3A_70 = arith.index_cast %add3A_61 : i32 to index
      %swap3A_71 = arith.constant 48 : index
      %swap3A_72 = tpu.vector_load %arg7[%swap3A_70, %swap3A_71] {strides = array<i32>} : memref<128x128xf32, #tpu.memory_space<vmem>>, vector<16xf32>,
      tpu.vector_store %arg7[%swap3A_70, %swap3A_71], %broadcast_in_dim3A_6 {strides = array<i32>} : memref<128x128xf32, #tpu.memory_space<vmem>>, vector<16xf32>,
      %swap3A_73 = arith.index_cast %add3A_61 : i32 to index
      %swap3A_74 = arith.constant 64 : index
      %swap3A_75 = tpu.vector_load %arg7[%swap3A_73, %swap3A_74] {strides = array<i32>} : memref<128x128xf32, #tpu.memory_space<vmem>>, vector<16xf32>,
      tpu.vector_store %arg7[%swap3A_73, %swap3A_74], %broadcast_in_dim3A_6 {strides = array<i32>} : memref<128x128xf32, #tpu.memory_space<vmem>>, vector<16xf32>,
      %swap3A_76 = arith.index_cast %add3A_61 : i32 to index
      %swap3A_77 = arith.constant 80 : index
      %swap3A_78 = tpu.vector_load %arg7[%swap3A_76, %swap3A_77] {strides = array<i32>} : memref<128x128xf32, #tpu.memory_space<vmem>>, vector<16xf32>,
      tpu.vector_store %arg7[%swap3A_76, %swap3A_77], %broadcast_in_dim3A_6 {strides = array<i32>} : memref<128x128xf32, #tpu.memory_space<vmem>>, vector<16xf32>,
      %swap3A_79 = arith.index_cast %add3A_61 : i32 to index
      %swap3A_80 = arith.constant 96 : index
      %swap3A_81 = tpu.vector_load %arg7[%swap3A_79, %swap3A_80] {strides = array<i32>} : memref<128x128xf32, #tpu.memory_space<vmem>>, vector<16xf32>,
      tpu.vector_store %arg7[%swap3A_79, %swap3A_80], %broadcast_in_dim3A_6 {strides = array<i32>} : memref<128x128xf32, #tpu.memory_space<vmem>>, vector<16xf32>,
      %swap3A_82 = arith.index_cast %add3A_61 : i32 to index
      %swap3A_83 = arith.constant 112 : index
      %swap3A_84 = tpu.vector_load %arg7[%swap3A_82, %swap3A_83] {strides = array<i32>} : memref<128x128xf32, #tpu.memory_space<vmem>>, vector<16xf32>,
      tpu.vector_store %arg7[%swap3A_82, %swap3A_83], %broadcast_in_dim3A_6 {strides = array<i32>} : memref<128x128xf32, #tpu.memory_space<vmem>>, vector<16xf32>,
    }
    %scan3A_20 = arith.constant 128 : i32
    %scan3A_21 = arith.constant 0 : i32
    %scan3A_22 = arith.constant 128 : i32
    %scan3A_23 = arith.addi %scan3A_21, %scan3A_22 : i32
    %scan3A_24 = arith.constant 1 : i32
    scf.for %scan3A_57 = %scan3A_21 to %scan3A_23 step %scan3A_24  : i32 {
      %mul3A_58 = arith.constant 1 : i32
      %mul3A_59 = arith.muli %scan3A_57, %mul3A_58 : i32
      %add3A_60 = arith.constant 0 : i32
      %add3A_61 = arith.addi %add3A_60, %mul3A_59 : i32
      %swap3A = arith.index_cast %add3A_61 : i32 to index
      %swap3A_62 = arith.constant 0 : index
      %swap3A_63 = tpu.vector_load %arg8[%swap3A, %swap3A_62] {strides = array<i32>} : memref<128x128xf32, #tpu.memory_space<vmem>>, vector<16xf32>,
      tpu.vector_store %arg8[%swap3A, %swap3A_62], %broadcast_in_dim3A_6 {strides = array<i32>} : memref<128x128xf32, #tpu.memory_space<vmem>>, vector<16xf32>,
      %swap3A_64 = arith.index_cast %add3A_61 : i32 to index
      %swap3A_65 = arith.constant 16 : index
      %swap3A_66 = tpu.vector_load %arg8[%swap3A_64, %swap3A_65] {strides = array<i32>} : memref<128x128xf32, #tpu.memory_space<vmem>>, vector<16xf32>,
      tpu.vector_store %arg8[%swap3A_64, %swap3A_65], %broadcast_in_dim3A_6 {strides = array<i32>} : memref<128x128xf32, #tpu.memory_space<vmem>>, vector<16xf32>,
      %swap3A_67 = arith.index_cast %add3A_61 : i32 to index
      %swap3A_68 = arith.constant 32 : index
      %swap3A_69 = tpu.vector_load %arg8[%swap3A_67, %swap3A_68] {strides = array<i32>} : memref<128x128xf32, #tpu.memory_space<vmem>>, vector<16xf32>,
      tpu.vector_store %arg8[%swap3A_67, %swap3A_68], %broadcast_in_dim3A_6 {strides = array<i32>} : memref<128x128xf32, #tpu.memory_space<vmem>>, vector<16xf32>,
      %swap3A_70 = arith.index_cast %add3A_61 : i32 to index
      %swap3A_71 = arith.constant 48 : index
      %swap3A_72 = tpu.vector_load %arg8[%swap3A_70, %swap3A_71] {strides = array<i32>} : memref<128x128xf32, #tpu.memory_space<vmem>>, vector<16xf32>,
      tpu.vector_store %arg8[%swap3A_70, %swap3A_71], %broadcast_in_dim3A_6 {strides = array<i32>} : memref<128x128xf32, #tpu.memory_space<vmem>>, vector<16xf32>,
      %swap3A_73 = arith.index_cast %add3A_61 : i32 to index
      %swap3A_74 = arith.constant 64 : index
      %swap3A_75 = tpu.vector_load %arg8[%swap3A_73, %swap3A_74] {strides = array<i32>} : memref<128x128xf32, #tpu.memory_space<vmem>>, vector<16xf32>,
      tpu.vector_store %arg8[%swap3A_73, %swap3A_74], %broadcast_in_dim3A_6 {strides = array<i32>} : memref<128x128xf32, #tpu.memory_space<vmem>>, vector<16xf32>,
      %swap3A_76 = arith.index_cast %add3A_61 : i32 to index
      %swap3A_77 = arith.constant 80 : index
      %swap3A_78 = tpu.vector_load %arg8[%swap3A_76, %swap3A_77] {strides = array<i32>} : memref<128x128xf32, #tpu.memory_space<vmem>>, vector<16xf32>,
      tpu.vector_store %arg8[%swap3A_76, %swap3A_77], %broadcast_in_dim3A_6 {strides = array<i32>} : memref<128x128xf32, #tpu.memory_space<vmem>>, vector<16xf32>,
      %swap3A_79 = arith.index_cast %add3A_61 : i32 to index
      %swap3A_80 = arith.constant 96 : index
      %swap3A_81 = tpu.vector_load %arg8[%swap3A_79, %swap3A_80] {strides = array<i32>} : memref<128x128xf32, #tpu.memory_space<vmem>>, vector<16xf32>,
      tpu.vector_store %arg8[%swap3A_79, %swap3A_80], %broadcast_in_dim3A_6 {strides = array<i32>} : memref<128x128xf32, #tpu.memory_space<vmem>>, vector<16xf32>,
      %swap3A_82 = arith.index_cast %add3A_61 : i32 to index
      %swap3A_83 = arith.constant 112 : index
      %swap3A_84 = tpu.vector_load %arg8[%swap3A_82, %swap3A_83] {strides = array<i32>} : memref<128x128xf32, #tpu.memory_space<vmem>>, vector<16xf32>,
      tpu.vector_store %arg8[%swap3A_82, %swap3A_83], %broadcast_in_dim3A_6 {strides = array<i32>} : memref<128x128xf32, #tpu.memory_space<vmem>>, vector<16xf32>,
    }
    %scan3A_25 = arith.constant 128 : i32
    "tpu.region"() ({
      %run_scoped3A = tpu.sem_alloc : memref<!tpu.dma_semaphore, #tpu.memory_space<semaphore_mem>>
      %dma_start3A = tpu.memref_slice %arg2[%mul3A_2] : memref<1048576xf32, #tpu.memory_space<hbm>> -> memref<32768xf32, #tpu.memory_space<hbm>>
      %dma_start3A_57 = tpu.memref_slice %arg2[%mul3A_2] : memref<1048576xf32, #tpu.memory_space<hbm>> -> memref<32768xf32, #tpu.memory_space<hbm>>
      tpu.enqueue_dma source(%dma_start3A_57 : memref<32768xf32, #tpu.memory_space<hbm>>) target(%arg4 : memref<32768xf32, #tpu.memory_space<vmem>>) target_semaphore(%run_scoped3A : memref<!tpu.dma_semaphore, #tpu.memory_space<semaphore_mem>>)
      %dma_wait3A_58 = tpu.memref_slice %arg2[%mul3A_2] : memref<1048576xf32, #tpu.memory_space<hbm>> -> memref<32768xf32, #tpu.memory_space<hbm>>
      %dma_wait3A_59 = tpu.memref_slice %arg2[%mul3A_2] : memref<1048576xf32, #tpu.memory_space<hbm>> -> memref<32768xf32, #tpu.memory_space<hbm>>
      tpu.wait_dma2 semaphore(%run_scoped3A : memref<!tpu.dma_semaphore, #tpu.memory_space<semaphore_mem>>) src(%dma_wait3A_59 : memref<32768xf32, #tpu.memory_space<hbm>>) dst(%arg4 : memref<32768xf32, #tpu.memory_space<vmem>>)
      tpu.yield
    }) : () -> ()
    %scan3A_26 = arith.constant 0 : i32
    %scan3A_27 = arith.constant 64 : i32
    %scan3A_28 = arith.addi %scan3A_26, %scan3A_27 : i32
    %scan3A_29 = arith.constant 1 : i32
    scf.for %scan3A_57 = %scan3A_26 to %scan3A_28 step %scan3A_29  : i32 {
      %mul3A_58 = arith.constant 4 : i32
      %mul3A_59 = arith.muli %scan3A_57, %mul3A_58 : i32
      %add3A_60 = arith.constant 0 : i32
      %add3A_61 = arith.addi %add3A_60, %mul3A_59 : i32
      %add3A_62 = arith.constant 0 : i32
      %add3A_63 = arith.addi %add3A_61, %add3A_62 : i32
      %ge3A = arith.constant 4 : i32
      %ge3A_64 = arith.cmpi sge, %add3A_63, %ge3A : i32
      %convert_element_type3A = arith.extui %ge3A_64 : i1 to i32
      %cond3A = arith.constant 0 : i32
      %cond3A_65 = arith.cmpi ne, %convert_element_type3A, %cond3A : i32
      scf.if %cond3A_65 {
        %mul3A_138 = arith.constant 128 : i32
        %mul3A_139 = arith.muli %add3A_63, %mul3A_138 : i32
        %add3A_140 = arith.addi %mul3A_2, %mul3A_139 : i32
        %multiple_of3A_141 = tpu.assume_multiple %add3A_140, 8 : i32
        %dma_wait3A_142 = arith.constant 0 : i32
        %dma_wait3A_143 = tpu.memref_slice %arg3[%multiple_of3A_141, %dma_wait3A_142] : memref<1048576x128xf32, #tpu.memory_space<hbm>> -> memref<128x128xf32, #tpu.memory_space<hbm>>
        %dma_wait3A_144 = arith.constant 0 : i32
        %dma_wait3A_145 = tpu.memref_slice %arg3[%multiple_of3A_141, %dma_wait3A_144] : memref<1048576x128xf32, #tpu.memory_space<hbm>> -> memref<128x128xf32, #tpu.memory_space<hbm>>
        tpu.wait_dma2 semaphore(%arg13 : memref<!tpu.dma_semaphore, #tpu.memory_space<semaphore_mem>>) src(%arg5 : memref<128x128xf32, #tpu.memory_space<vmem>>) dst(%dma_wait3A_145 : memref<128x128xf32, #tpu.memory_space<hbm>>)
        %scan3A_146 = arith.constant 0 : i32
        %scan3A_147 = arith.constant 8 : i32
        %scan3A_148 = arith.addi %scan3A_146, %scan3A_147 : i32
        %scan3A_149 = arith.constant 1 : i32
        scf.for %scan3A_151 = %scan3A_146 to %scan3A_148 step %scan3A_149  : i32 {
          %mul3A_152 = arith.constant 1 : i32
          %mul3A_153 = arith.muli %scan3A_151, %mul3A_152 : i32
          %add3A_154 = arith.constant 0 : i32
          %add3A_155 = arith.addi %add3A_154, %mul3A_153 : i32
          %mul3A_156 = arith.constant 16 : i32
          %mul3A_157 = arith.muli %add3A_155, %mul3A_156 : i32
          %get3A = arith.constant 0 : i32
          %get3A_158 = arith.index_cast %get3A : i32 to index
          %get3A_159 = arith.index_cast %mul3A_157 : i32 to index
          %get3A_160 = tpu.vector_load %arg9[%get3A_158, %get3A_159] {strides = array<i32>} : memref<2x128xi32, #tpu.memory_space<vmem>>, vector<16xi32>,
          %shift_right_logical3A = arith.constant 7 : i32
          %shift_right_logical3A_161 = vector.broadcast %shift_right_logical3A : i32 to vector<16xi32>
          %shift_right_logical3A_162 = arith.shrui %get3A_160, %shift_right_logical3A_161 : vector<16xi32>
          %and3A = arith.constant 127 : i32
          %and3A_163 = vector.broadcast %and3A : i32 to vector<16xi32>
          %and3A_164 = arith.andi %get3A_160, %and3A_163 : vector<16xi32>
          tpu.vector_store_idx %arg5[%shift_right_logical3A_162, %and3A_164], %broadcast_in_dim3A_6 : memref<128x128xf32, #tpu.memory_space<vmem>>[vector<16xi32>, vector<16xi32>], vector<16xf32>,
          %mul3A_165 = arith.constant 16 : i32
          %mul3A_166 = arith.muli %add3A_155, %mul3A_165 : i32
          %get3A_167 = arith.constant 1 : i32
          %get3A_168 = arith.index_cast %get3A_167 : i32 to index
          %get3A_169 = arith.index_cast %mul3A_166 : i32 to index
          %get3A_170 = tpu.vector_load %arg9[%get3A_168, %get3A_169] {strides = array<i32>} : memref<2x128xi32, #tpu.memory_space<vmem>>, vector<16xi32>,
          %shift_right_logical3A_171 = arith.constant 7 : i32
          %shift_right_logical3A_172 = vector.broadcast %shift_right_logical3A_171 : i32 to vector<16xi32>
          %shift_right_logical3A_173 = arith.shrui %get3A_170, %shift_right_logical3A_172 : vector<16xi32>
          %and3A_174 = arith.constant 127 : i32
          %and3A_175 = vector.broadcast %and3A_174 : i32 to vector<16xi32>
          %and3A_176 = arith.andi %get3A_170, %and3A_175 : vector<16xi32>
          tpu.vector_store_idx %arg5[%shift_right_logical3A_173, %and3A_176], %broadcast_in_dim3A_6 : memref<128x128xf32, #tpu.memory_space<vmem>>[vector<16xi32>, vector<16xi32>], vector<16xf32>,
        }
        %scan3A_150 = arith.constant 8 : i32
      } else {
      }
      %scan3A_66 = arith.constant 0 : i32
      %scan3A_67 = arith.constant 8 : i32
      %scan3A_68 = arith.addi %scan3A_66, %scan3A_67 : i32
      %scan3A_69 = arith.constant 1 : i32
      scf.for %scan3A_138 = %scan3A_66 to %scan3A_68 step %scan3A_69  : i32 {
        %mul3A_139 = arith.constant 1 : i32
        %mul3A_140 = arith.muli %scan3A_138, %mul3A_139 : i32
        %add3A_141 = arith.constant 0 : i32
        %add3A_142 = arith.addi %add3A_141, %mul3A_140 : i32
        %mul3A_143 = arith.constant 128 : i32
        %mul3A_144 = arith.muli %add3A_63, %mul3A_143 : i32
        %mul3A_145 = arith.constant 16 : i32
        %mul3A_146 = arith.muli %add3A_142, %mul3A_145 : i32
        %add3A_147 = arith.addi %mul3A_144, %mul3A_146 : i32
        %get3A = arith.index_cast %add3A_147 : i32 to index
        %get3A_148 = tpu.vector_load %arg4[%get3A] {strides = array<i32>} : memref<32768xf32, #tpu.memory_space<vmem>>, vector<16xf32>,
        %max3A = arith.constant -1.000000e+01 : f32
        %max3A_149 = vector.broadcast %max3A : f32 to vector<16xf32>
        %max3A_150 = arith.maximumf %get3A_148, %max3A_149 : vector<16xf32>
        %min3A = arith.constant 1.000000e+01 : f32
        %min3A_151 = vector.broadcast %min3A : f32 to vector<16xf32>
        %min3A_152 = arith.minimumf %max3A_150, %min3A_151 : vector<16xf32>
        %sub3A = arith.constant -1.000000e+01 : f32
        %sub3A_153 = vector.broadcast %sub3A : f32 to vector<16xf32>
        %sub3A_154 = arith.subf %min3A_152, %sub3A_153 : vector<16xf32>
        %div3A = arith.constant 4.000000e-01 : f32
        %div3A_155 = vector.broadcast %div3A : f32 to vector<16xf32>
        %div3A_156 = arith.divf %sub3A_154, %div3A_155 : vector<16xf32>
        %convert_element_type3A_157 = arith.fptosi %div3A_156 : vector<16xf32> to vector<16xi32>
        %convert_element_type3A_158 = arith.sitofp %convert_element_type3A_157 : vector<16xi32> to vector<16xf32>
        %sub3A_159 = arith.subf %div3A_156, %convert_element_type3A_158 : vector<16xf32>
        %sub3A_160 = arith.constant 1.000000e+00 : f32
        %sub3A_161 = vector.broadcast %sub3A_160 : f32 to vector<16xf32>
        %sub3A_162 = arith.subf %sub3A_161, %sub3A_159 : vector<16xf32>
        %lt3A = arith.constant 5.000000e+01 : f32
        %lt3A_163 = vector.broadcast %lt3A : f32 to vector<16xf32>
        %lt3A_164 = arith.cmpf olt, %div3A_156, %lt3A_163 : vector<16xf32>
        %jit3A = arith.constant 0.000000e+00 : f32
        %broadcast_in_dim3A_165 = vector.broadcast %jit3A : f32 to vector<16xf32>
        %select_n3A = arith.select %lt3A_164, %sub3A_159, %broadcast_in_dim3A_165 : vector<16xi1>, vector<16xf32>
        %mul3A_166 = arith.constant 2048 : i32
        %mul3A_167 = arith.muli %add3A_142, %mul3A_166 : i32
        %add3A_168 = vector.broadcast %mul3A_167 : i32 to vector<16xi32>
        %add3A_169 = arith.addi %mul3A_5, %add3A_168 : vector<16xi32>
        %add3A_170 = arith.addi %add3A_169, %convert_element_type3A_157 : vector<16xi32>
        %add3A_171 = arith.constant 1 : i32
        %add3A_172 = vector.broadcast %add3A_171 : i32 to vector<16xi32>
        %add3A_173 = arith.addi %add3A_170, %add3A_172 : vector<16xi32>
        %shift_right_logical3A = arith.constant 7 : i32
        %shift_right_logical3A_174 = vector.broadcast %shift_right_logical3A : i32 to vector<16xi32>
        %shift_right_logical3A_175 = arith.shrui %add3A_173, %shift_right_logical3A_174 : vector<16xi32>
        %and3A = arith.constant 127 : i32
        %and3A_176 = vector.broadcast %and3A : i32 to vector<16xi32>
        %and3A_177 = arith.andi %add3A_173, %and3A_176 : vector<16xi32>
        tpu.vector_store_idx %arg5[%shift_right_logical3A_175, %and3A_177], %select_n3A : memref<128x128xf32, #tpu.memory_space<vmem>>[vector<16xi32>, vector<16xi32>], vector<16xf32>,
        %shift_right_logical3A_178 = arith.constant 7 : i32
        %shift_right_logical3A_179 = vector.broadcast %shift_right_logical3A_178 : i32 to vector<16xi32>
        %shift_right_logical3A_180 = arith.shrui %add3A_170, %shift_right_logical3A_179 : vector<16xi32>
        %and3A_181 = arith.constant 127 : i32
        %and3A_182 = vector.broadcast %and3A_181 : i32 to vector<16xi32>
        %and3A_183 = arith.andi %add3A_170, %and3A_182 : vector<16xi32>
        tpu.vector_store_idx %arg5[%shift_right_logical3A_180, %and3A_183], %sub3A_162 : memref<128x128xf32, #tpu.memory_space<vmem>>[vector<16xi32>, vector<16xi32>], vector<16xf32>,
        %mul3A_184 = arith.constant 16 : i32
        %mul3A_185 = arith.muli %add3A_142, %mul3A_184 : i32
        %swap3A = arith.constant 0 : i32
        %swap3A_186 = arith.index_cast %swap3A : i32 to index
        %swap3A_187 = arith.index_cast %mul3A_185 : i32 to index
        %swap3A_188 = tpu.vector_load %arg9[%swap3A_186, %swap3A_187] {strides = array<i32>} : memref<2x128xi32, #tpu.memory_space<vmem>>, vector<16xi32>,
        tpu.vector_store %arg9[%swap3A_186, %swap3A_187], %add3A_170 {strides = array<i32>} : memref<2x128xi32, #tpu.memory_space<vmem>>, vector<16xi32>,
        %mul3A_189 = arith.constant 16 : i32
        %mul3A_190 = arith.muli %add3A_142, %mul3A_189 : i32
        %swap3A_191 = arith.constant 1 : i32
        %swap3A_192 = arith.index_cast %swap3A_191 : i32 to index
        %swap3A_193 = arith.index_cast %mul3A_190 : i32 to index
        %swap3A_194 = tpu.vector_load %arg9[%swap3A_192, %swap3A_193] {strides = array<i32>} : memref<2x128xi32, #tpu.memory_space<vmem>>, vector<16xi32>,
        tpu.vector_store %arg9[%swap3A_192, %swap3A_193], %add3A_173 {strides = array<i32>} : memref<2x128xi32, #tpu.memory_space<vmem>>, vector<16xi32>,
      }
      %scan3A_70 = arith.constant 8 : i32
      %mul3A_71 = arith.constant 128 : i32
      %mul3A_72 = arith.muli %add3A_63, %mul3A_71 : i32
      %add3A_73 = arith.addi %mul3A_2, %mul3A_72 : i32
      %multiple_of3A_74 = tpu.assume_multiple %add3A_73, 8 : i32
      %dma_start3A = arith.constant 0 : i32
      %dma_start3A_75 = tpu.memref_slice %arg3[%multiple_of3A_74, %dma_start3A] : memref<1048576x128xf32, #tpu.memory_space<hbm>> -> memref<128x128xf32, #tpu.memory_space<hbm>>
      %dma_start3A_76 = arith.constant 0 : i32
      %dma_start3A_77 = tpu.memref_slice %arg3[%multiple_of3A_74, %dma_start3A_76] : memref<1048576x128xf32, #tpu.memory_space<hbm>> -> memref<128x128xf32, #tpu.memory_space<hbm>>
      tpu.enqueue_dma source(%arg5 : memref<128x128xf32, #tpu.memory_space<vmem>>) target(%dma_start3A_77 : memref<128x128xf32, #tpu.memory_space<hbm>>) target_semaphore(%arg13 : memref<!tpu.dma_semaphore, #tpu.memory_space<semaphore_mem>>)
      %add3A_78 = arith.constant 1 : i32
      %add3A_79 = arith.addi %add3A_61, %add3A_78 : i32
      %ge3A_80 = arith.constant 4 : i32
      %ge3A_81 = arith.cmpi sge, %add3A_79, %ge3A_80 : i32
      %convert_element_type3A_82 = arith.extui %ge3A_81 : i1 to i32
      %cond3A_83 = arith.constant 0 : i32
      %cond3A_84 = arith.cmpi ne, %convert_element_type3A_82, %cond3A_83 : i32
      scf.if %cond3A_84 {
        %mul3A_138 = arith.constant 128 : i32
        %mul3A_139 = arith.muli %add3A_79, %mul3A_138 : i32
        %add3A_140 = arith.addi %mul3A_2, %mul3A_139 : i32
        %multiple_of3A_141 = tpu.assume_multiple %add3A_140, 8 : i32
        %dma_wait3A_142 = arith.constant 0 : i32
        %dma_wait3A_143 = tpu.memref_slice %arg3[%multiple_of3A_141, %dma_wait3A_142] : memref<1048576x128xf32, #tpu.memory_space<hbm>> -> memref<128x128xf32, #tpu.memory_space<hbm>>
        %dma_wait3A_144 = arith.constant 0 : i32
        %dma_wait3A_145 = tpu.memref_slice %arg3[%multiple_of3A_141, %dma_wait3A_144] : memref<1048576x128xf32, #tpu.memory_space<hbm>> -> memref<128x128xf32, #tpu.memory_space<hbm>>
        tpu.wait_dma2 semaphore(%arg14 : memref<!tpu.dma_semaphore, #tpu.memory_space<semaphore_mem>>) src(%arg6 : memref<128x128xf32, #tpu.memory_space<vmem>>) dst(%dma_wait3A_145 : memref<128x128xf32, #tpu.memory_space<hbm>>)
        %scan3A_146 = arith.constant 0 : i32
        %scan3A_147 = arith.constant 8 : i32
        %scan3A_148 = arith.addi %scan3A_146, %scan3A_147 : i32
        %scan3A_149 = arith.constant 1 : i32
        scf.for %scan3A_151 = %scan3A_146 to %scan3A_148 step %scan3A_149  : i32 {
          %mul3A_152 = arith.constant 1 : i32
          %mul3A_153 = arith.muli %scan3A_151, %mul3A_152 : i32
          %add3A_154 = arith.constant 0 : i32
          %add3A_155 = arith.addi %add3A_154, %mul3A_153 : i32
          %mul3A_156 = arith.constant 16 : i32
          %mul3A_157 = arith.muli %add3A_155, %mul3A_156 : i32
          %get3A = arith.constant 0 : i32
          %get3A_158 = arith.index_cast %get3A : i32 to index
          %get3A_159 = arith.index_cast %mul3A_157 : i32 to index
          %get3A_160 = tpu.vector_load %arg10[%get3A_158, %get3A_159] {strides = array<i32>} : memref<2x128xi32, #tpu.memory_space<vmem>>, vector<16xi32>,
          %shift_right_logical3A = arith.constant 7 : i32
          %shift_right_logical3A_161 = vector.broadcast %shift_right_logical3A : i32 to vector<16xi32>
          %shift_right_logical3A_162 = arith.shrui %get3A_160, %shift_right_logical3A_161 : vector<16xi32>
          %and3A = arith.constant 127 : i32
          %and3A_163 = vector.broadcast %and3A : i32 to vector<16xi32>
          %and3A_164 = arith.andi %get3A_160, %and3A_163 : vector<16xi32>
          tpu.vector_store_idx %arg6[%shift_right_logical3A_162, %and3A_164], %broadcast_in_dim3A_6 : memref<128x128xf32, #tpu.memory_space<vmem>>[vector<16xi32>, vector<16xi32>], vector<16xf32>,
          %mul3A_165 = arith.constant 16 : i32
          %mul3A_166 = arith.muli %add3A_155, %mul3A_165 : i32
          %get3A_167 = arith.constant 1 : i32
          %get3A_168 = arith.index_cast %get3A_167 : i32 to index
          %get3A_169 = arith.index_cast %mul3A_166 : i32 to index
          %get3A_170 = tpu.vector_load %arg10[%get3A_168, %get3A_169] {strides = array<i32>} : memref<2x128xi32, #tpu.memory_space<vmem>>, vector<16xi32>,
          %shift_right_logical3A_171 = arith.constant 7 : i32
          %shift_right_logical3A_172 = vector.broadcast %shift_right_logical3A_171 : i32 to vector<16xi32>
          %shift_right_logical3A_173 = arith.shrui %get3A_170, %shift_right_logical3A_172 : vector<16xi32>
          %and3A_174 = arith.constant 127 : i32
          %and3A_175 = vector.broadcast %and3A_174 : i32 to vector<16xi32>
          %and3A_176 = arith.andi %get3A_170, %and3A_175 : vector<16xi32>
          tpu.vector_store_idx %arg6[%shift_right_logical3A_173, %and3A_176], %broadcast_in_dim3A_6 : memref<128x128xf32, #tpu.memory_space<vmem>>[vector<16xi32>, vector<16xi32>], vector<16xf32>,
        }
        %scan3A_150 = arith.constant 8 : i32
      } else {
      }
      %scan3A_85 = arith.constant 0 : i32
      %scan3A_86 = arith.constant 8 : i32
      %scan3A_87 = arith.addi %scan3A_85, %scan3A_86 : i32
      %scan3A_88 = arith.constant 1 : i32
      scf.for %scan3A_138 = %scan3A_85 to %scan3A_87 step %scan3A_88  : i32 {
        %mul3A_139 = arith.constant 1 : i32
        %mul3A_140 = arith.muli %scan3A_138, %mul3A_139 : i32
        %add3A_141 = arith.constant 0 : i32
        %add3A_142 = arith.addi %add3A_141, %mul3A_140 : i32
        %mul3A_143 = arith.constant 128 : i32
        %mul3A_144 = arith.muli %add3A_79, %mul3A_143 : i32
        %mul3A_145 = arith.constant 16 : i32
        %mul3A_146 = arith.muli %add3A_142, %mul3A_145 : i32
        %add3A_147 = arith.addi %mul3A_144, %mul3A_146 : i32
        %get3A = arith.index_cast %add3A_147 : i32 to index
        %get3A_148 = tpu.vector_load %arg4[%get3A] {strides = array<i32>} : memref<32768xf32, #tpu.memory_space<vmem>>, vector<16xf32>,
        %max3A = arith.constant -1.000000e+01 : f32
        %max3A_149 = vector.broadcast %max3A : f32 to vector<16xf32>
        %max3A_150 = arith.maximumf %get3A_148, %max3A_149 : vector<16xf32>
        %min3A = arith.constant 1.000000e+01 : f32
        %min3A_151 = vector.broadcast %min3A : f32 to vector<16xf32>
        %min3A_152 = arith.minimumf %max3A_150, %min3A_151 : vector<16xf32>
        %sub3A = arith.constant -1.000000e+01 : f32
        %sub3A_153 = vector.broadcast %sub3A : f32 to vector<16xf32>
        %sub3A_154 = arith.subf %min3A_152, %sub3A_153 : vector<16xf32>
        %div3A = arith.constant 4.000000e-01 : f32
        %div3A_155 = vector.broadcast %div3A : f32 to vector<16xf32>
        %div3A_156 = arith.divf %sub3A_154, %div3A_155 : vector<16xf32>
        %convert_element_type3A_157 = arith.fptosi %div3A_156 : vector<16xf32> to vector<16xi32>
        %convert_element_type3A_158 = arith.sitofp %convert_element_type3A_157 : vector<16xi32> to vector<16xf32>
        %sub3A_159 = arith.subf %div3A_156, %convert_element_type3A_158 : vector<16xf32>
        %sub3A_160 = arith.constant 1.000000e+00 : f32
        %sub3A_161 = vector.broadcast %sub3A_160 : f32 to vector<16xf32>
        %sub3A_162 = arith.subf %sub3A_161, %sub3A_159 : vector<16xf32>
        %lt3A = arith.constant 5.000000e+01 : f32
        %lt3A_163 = vector.broadcast %lt3A : f32 to vector<16xf32>
        %lt3A_164 = arith.cmpf olt, %div3A_156, %lt3A_163 : vector<16xf32>
        %jit3A = arith.constant 0.000000e+00 : f32
        %broadcast_in_dim3A_165 = vector.broadcast %jit3A : f32 to vector<16xf32>
        %select_n3A = arith.select %lt3A_164, %sub3A_159, %broadcast_in_dim3A_165 : vector<16xi1>, vector<16xf32>
        %mul3A_166 = arith.constant 2048 : i32
        %mul3A_167 = arith.muli %add3A_142, %mul3A_166 : i32
        %add3A_168 = vector.broadcast %mul3A_167 : i32 to vector<16xi32>
        %add3A_169 = arith.addi %mul3A_5, %add3A_168 : vector<16xi32>
        %add3A_170 = arith.addi %add3A_169, %convert_element_type3A_157 : vector<16xi32>
        %add3A_171 = arith.constant 1 : i32
        %add3A_172 = vector.broadcast %add3A_171 : i32 to vector<16xi32>
        %add3A_173 = arith.addi %add3A_170, %add3A_172 : vector<16xi32>
        %shift_right_logical3A = arith.constant 7 : i32
        %shift_right_logical3A_174 = vector.broadcast %shift_right_logical3A : i32 to vector<16xi32>
        %shift_right_logical3A_175 = arith.shrui %add3A_173, %shift_right_logical3A_174 : vector<16xi32>
        %and3A = arith.constant 127 : i32
        %and3A_176 = vector.broadcast %and3A : i32 to vector<16xi32>
        %and3A_177 = arith.andi %add3A_173, %and3A_176 : vector<16xi32>
        tpu.vector_store_idx %arg6[%shift_right_logical3A_175, %and3A_177], %select_n3A : memref<128x128xf32, #tpu.memory_space<vmem>>[vector<16xi32>, vector<16xi32>], vector<16xf32>,
        %shift_right_logical3A_178 = arith.constant 7 : i32
        %shift_right_logical3A_179 = vector.broadcast %shift_right_logical3A_178 : i32 to vector<16xi32>
        %shift_right_logical3A_180 = arith.shrui %add3A_170, %shift_right_logical3A_179 : vector<16xi32>
        %and3A_181 = arith.constant 127 : i32
        %and3A_182 = vector.broadcast %and3A_181 : i32 to vector<16xi32>
        %and3A_183 = arith.andi %add3A_170, %and3A_182 : vector<16xi32>
        tpu.vector_store_idx %arg6[%shift_right_logical3A_180, %and3A_183], %sub3A_162 : memref<128x128xf32, #tpu.memory_space<vmem>>[vector<16xi32>, vector<16xi32>], vector<16xf32>,
        %mul3A_184 = arith.constant 16 : i32
        %mul3A_185 = arith.muli %add3A_142, %mul3A_184 : i32
        %swap3A = arith.constant 0 : i32
        %swap3A_186 = arith.index_cast %swap3A : i32 to index
        %swap3A_187 = arith.index_cast %mul3A_185 : i32 to index
        %swap3A_188 = tpu.vector_load %arg10[%swap3A_186, %swap3A_187] {strides = array<i32>} : memref<2x128xi32, #tpu.memory_space<vmem>>, vector<16xi32>,
        tpu.vector_store %arg10[%swap3A_186, %swap3A_187], %add3A_170 {strides = array<i32>} : memref<2x128xi32, #tpu.memory_space<vmem>>, vector<16xi32>,
        %mul3A_189 = arith.constant 16 : i32
        %mul3A_190 = arith.muli %add3A_142, %mul3A_189 : i32
        %swap3A_191 = arith.constant 1 : i32
        %swap3A_192 = arith.index_cast %swap3A_191 : i32 to index
        %swap3A_193 = arith.index_cast %mul3A_190 : i32 to index
        %swap3A_194 = tpu.vector_load %arg10[%swap3A_192, %swap3A_193] {strides = array<i32>} : memref<2x128xi32, #tpu.memory_space<vmem>>, vector<16xi32>,
        tpu.vector_store %arg10[%swap3A_192, %swap3A_193], %add3A_173 {strides = array<i32>} : memref<2x128xi32, #tpu.memory_space<vmem>>, vector<16xi32>,
      }
      %scan3A_89 = arith.constant 8 : i32
      %mul3A_90 = arith.constant 128 : i32
      %mul3A_91 = arith.muli %add3A_79, %mul3A_90 : i32
      %add3A_92 = arith.addi %mul3A_2, %mul3A_91 : i32
      %multiple_of3A_93 = tpu.assume_multiple %add3A_92, 8 : i32
      %dma_start3A_94 = arith.constant 0 : i32
      %dma_start3A_95 = tpu.memref_slice %arg3[%multiple_of3A_93, %dma_start3A_94] : memref<1048576x128xf32, #tpu.memory_space<hbm>> -> memref<128x128xf32, #tpu.memory_space<hbm>>
      %dma_start3A_96 = arith.constant 0 : i32
      %dma_start3A_97 = tpu.memref_slice %arg3[%multiple_of3A_93, %dma_start3A_96] : memref<1048576x128xf32, #tpu.memory_space<hbm>> -> memref<128x128xf32, #tpu.memory_space<hbm>>
      tpu.enqueue_dma source(%arg6 : memref<128x128xf32, #tpu.memory_space<vmem>>) target(%dma_start3A_97 : memref<128x128xf32, #tpu.memory_space<hbm>>) target_semaphore(%arg14 : memref<!tpu.dma_semaphore, #tpu.memory_space<semaphore_mem>>)
      %add3A_98 = arith.constant 2 : i32
      %add3A_99 = arith.addi %add3A_61, %add3A_98 : i32
      %ge3A_100 = arith.constant 4 : i32
      %ge3A_101 = arith.cmpi sge, %add3A_99, %ge3A_100 : i32
      %convert_element_type3A_102 = arith.extui %ge3A_101 : i1 to i32
      %cond3A_103 = arith.constant 0 : i32
      %cond3A_104 = arith.cmpi ne, %convert_element_type3A_102, %cond3A_103 : i32
      scf.if %cond3A_104 {
        %mul3A_138 = arith.constant 128 : i32
        %mul3A_139 = arith.muli %add3A_99, %mul3A_138 : i32
        %add3A_140 = arith.addi %mul3A_2, %mul3A_139 : i32
        %multiple_of3A_141 = tpu.assume_multiple %add3A_140, 8 : i32
        %dma_wait3A_142 = arith.constant 0 : i32
        %dma_wait3A_143 = tpu.memref_slice %arg3[%multiple_of3A_141, %dma_wait3A_142] : memref<1048576x128xf32, #tpu.memory_space<hbm>> -> memref<128x128xf32, #tpu.memory_space<hbm>>
        %dma_wait3A_144 = arith.constant 0 : i32
        %dma_wait3A_145 = tpu.memref_slice %arg3[%multiple_of3A_141, %dma_wait3A_144] : memref<1048576x128xf32, #tpu.memory_space<hbm>> -> memref<128x128xf32, #tpu.memory_space<hbm>>
        tpu.wait_dma2 semaphore(%arg15 : memref<!tpu.dma_semaphore, #tpu.memory_space<semaphore_mem>>) src(%arg7 : memref<128x128xf32, #tpu.memory_space<vmem>>) dst(%dma_wait3A_145 : memref<128x128xf32, #tpu.memory_space<hbm>>)
        %scan3A_146 = arith.constant 0 : i32
        %scan3A_147 = arith.constant 8 : i32
        %scan3A_148 = arith.addi %scan3A_146, %scan3A_147 : i32
        %scan3A_149 = arith.constant 1 : i32
        scf.for %scan3A_151 = %scan3A_146 to %scan3A_148 step %scan3A_149  : i32 {
          %mul3A_152 = arith.constant 1 : i32
          %mul3A_153 = arith.muli %scan3A_151, %mul3A_152 : i32
          %add3A_154 = arith.constant 0 : i32
          %add3A_155 = arith.addi %add3A_154, %mul3A_153 : i32
          %mul3A_156 = arith.constant 16 : i32
          %mul3A_157 = arith.muli %add3A_155, %mul3A_156 : i32
          %get3A = arith.constant 0 : i32
          %get3A_158 = arith.index_cast %get3A : i32 to index
          %get3A_159 = arith.index_cast %mul3A_157 : i32 to index
          %get3A_160 = tpu.vector_load %arg11[%get3A_158, %get3A_159] {strides = array<i32>} : memref<2x128xi32, #tpu.memory_space<vmem>>, vector<16xi32>,
          %shift_right_logical3A = arith.constant 7 : i32
          %shift_right_logical3A_161 = vector.broadcast %shift_right_logical3A : i32 to vector<16xi32>
          %shift_right_logical3A_162 = arith.shrui %get3A_160, %shift_right_logical3A_161 : vector<16xi32>
          %and3A = arith.constant 127 : i32
          %and3A_163 = vector.broadcast %and3A : i32 to vector<16xi32>
          %and3A_164 = arith.andi %get3A_160, %and3A_163 : vector<16xi32>
          tpu.vector_store_idx %arg7[%shift_right_logical3A_162, %and3A_164], %broadcast_in_dim3A_6 : memref<128x128xf32, #tpu.memory_space<vmem>>[vector<16xi32>, vector<16xi32>], vector<16xf32>,
          %mul3A_165 = arith.constant 16 : i32
          %mul3A_166 = arith.muli %add3A_155, %mul3A_165 : i32
          %get3A_167 = arith.constant 1 : i32
          %get3A_168 = arith.index_cast %get3A_167 : i32 to index
          %get3A_169 = arith.index_cast %mul3A_166 : i32 to index
          %get3A_170 = tpu.vector_load %arg11[%get3A_168, %get3A_169] {strides = array<i32>} : memref<2x128xi32, #tpu.memory_space<vmem>>, vector<16xi32>,
          %shift_right_logical3A_171 = arith.constant 7 : i32
          %shift_right_logical3A_172 = vector.broadcast %shift_right_logical3A_171 : i32 to vector<16xi32>
          %shift_right_logical3A_173 = arith.shrui %get3A_170, %shift_right_logical3A_172 : vector<16xi32>
          %and3A_174 = arith.constant 127 : i32
          %and3A_175 = vector.broadcast %and3A_174 : i32 to vector<16xi32>
          %and3A_176 = arith.andi %get3A_170, %and3A_175 : vector<16xi32>
          tpu.vector_store_idx %arg7[%shift_right_logical3A_173, %and3A_176], %broadcast_in_dim3A_6 : memref<128x128xf32, #tpu.memory_space<vmem>>[vector<16xi32>, vector<16xi32>], vector<16xf32>,
        }
        %scan3A_150 = arith.constant 8 : i32
      } else {
      }
      %scan3A_105 = arith.constant 0 : i32
      %scan3A_106 = arith.constant 8 : i32
      %scan3A_107 = arith.addi %scan3A_105, %scan3A_106 : i32
      %scan3A_108 = arith.constant 1 : i32
      scf.for %scan3A_138 = %scan3A_105 to %scan3A_107 step %scan3A_108  : i32 {
        %mul3A_139 = arith.constant 1 : i32
        %mul3A_140 = arith.muli %scan3A_138, %mul3A_139 : i32
        %add3A_141 = arith.constant 0 : i32
        %add3A_142 = arith.addi %add3A_141, %mul3A_140 : i32
        %mul3A_143 = arith.constant 128 : i32
        %mul3A_144 = arith.muli %add3A_99, %mul3A_143 : i32
        %mul3A_145 = arith.constant 16 : i32
        %mul3A_146 = arith.muli %add3A_142, %mul3A_145 : i32
        %add3A_147 = arith.addi %mul3A_144, %mul3A_146 : i32
        %get3A = arith.index_cast %add3A_147 : i32 to index
        %get3A_148 = tpu.vector_load %arg4[%get3A] {strides = array<i32>} : memref<32768xf32, #tpu.memory_space<vmem>>, vector<16xf32>,
        %max3A = arith.constant -1.000000e+01 : f32
        %max3A_149 = vector.broadcast %max3A : f32 to vector<16xf32>
        %max3A_150 = arith.maximumf %get3A_148, %max3A_149 : vector<16xf32>
        %min3A = arith.constant 1.000000e+01 : f32
        %min3A_151 = vector.broadcast %min3A : f32 to vector<16xf32>
        %min3A_152 = arith.minimumf %max3A_150, %min3A_151 : vector<16xf32>
        %sub3A = arith.constant -1.000000e+01 : f32
        %sub3A_153 = vector.broadcast %sub3A : f32 to vector<16xf32>
        %sub3A_154 = arith.subf %min3A_152, %sub3A_153 : vector<16xf32>
        %div3A = arith.constant 4.000000e-01 : f32
        %div3A_155 = vector.broadcast %div3A : f32 to vector<16xf32>
        %div3A_156 = arith.divf %sub3A_154, %div3A_155 : vector<16xf32>
        %convert_element_type3A_157 = arith.fptosi %div3A_156 : vector<16xf32> to vector<16xi32>
        %convert_element_type3A_158 = arith.sitofp %convert_element_type3A_157 : vector<16xi32> to vector<16xf32>
        %sub3A_159 = arith.subf %div3A_156, %convert_element_type3A_158 : vector<16xf32>
        %sub3A_160 = arith.constant 1.000000e+00 : f32
        %sub3A_161 = vector.broadcast %sub3A_160 : f32 to vector<16xf32>
        %sub3A_162 = arith.subf %sub3A_161, %sub3A_159 : vector<16xf32>
        %lt3A = arith.constant 5.000000e+01 : f32
        %lt3A_163 = vector.broadcast %lt3A : f32 to vector<16xf32>
        %lt3A_164 = arith.cmpf olt, %div3A_156, %lt3A_163 : vector<16xf32>
        %jit3A = arith.constant 0.000000e+00 : f32
        %broadcast_in_dim3A_165 = vector.broadcast %jit3A : f32 to vector<16xf32>
        %select_n3A = arith.select %lt3A_164, %sub3A_159, %broadcast_in_dim3A_165 : vector<16xi1>, vector<16xf32>
        %mul3A_166 = arith.constant 2048 : i32
        %mul3A_167 = arith.muli %add3A_142, %mul3A_166 : i32
        %add3A_168 = vector.broadcast %mul3A_167 : i32 to vector<16xi32>
        %add3A_169 = arith.addi %mul3A_5, %add3A_168 : vector<16xi32>
        %add3A_170 = arith.addi %add3A_169, %convert_element_type3A_157 : vector<16xi32>
        %add3A_171 = arith.constant 1 : i32
        %add3A_172 = vector.broadcast %add3A_171 : i32 to vector<16xi32>
        %add3A_173 = arith.addi %add3A_170, %add3A_172 : vector<16xi32>
        %shift_right_logical3A = arith.constant 7 : i32
        %shift_right_logical3A_174 = vector.broadcast %shift_right_logical3A : i32 to vector<16xi32>
        %shift_right_logical3A_175 = arith.shrui %add3A_173, %shift_right_logical3A_174 : vector<16xi32>
        %and3A = arith.constant 127 : i32
        %and3A_176 = vector.broadcast %and3A : i32 to vector<16xi32>
        %and3A_177 = arith.andi %add3A_173, %and3A_176 : vector<16xi32>
        tpu.vector_store_idx %arg7[%shift_right_logical3A_175, %and3A_177], %select_n3A : memref<128x128xf32, #tpu.memory_space<vmem>>[vector<16xi32>, vector<16xi32>], vector<16xf32>,
        %shift_right_logical3A_178 = arith.constant 7 : i32
        %shift_right_logical3A_179 = vector.broadcast %shift_right_logical3A_178 : i32 to vector<16xi32>
        %shift_right_logical3A_180 = arith.shrui %add3A_170, %shift_right_logical3A_179 : vector<16xi32>
        %and3A_181 = arith.constant 127 : i32
        %and3A_182 = vector.broadcast %and3A_181 : i32 to vector<16xi32>
        %and3A_183 = arith.andi %add3A_170, %and3A_182 : vector<16xi32>
        tpu.vector_store_idx %arg7[%shift_right_logical3A_180, %and3A_183], %sub3A_162 : memref<128x128xf32, #tpu.memory_space<vmem>>[vector<16xi32>, vector<16xi32>], vector<16xf32>,
        %mul3A_184 = arith.constant 16 : i32
        %mul3A_185 = arith.muli %add3A_142, %mul3A_184 : i32
        %swap3A = arith.constant 0 : i32
        %swap3A_186 = arith.index_cast %swap3A : i32 to index
        %swap3A_187 = arith.index_cast %mul3A_185 : i32 to index
        %swap3A_188 = tpu.vector_load %arg11[%swap3A_186, %swap3A_187] {strides = array<i32>} : memref<2x128xi32, #tpu.memory_space<vmem>>, vector<16xi32>,
        tpu.vector_store %arg11[%swap3A_186, %swap3A_187], %add3A_170 {strides = array<i32>} : memref<2x128xi32, #tpu.memory_space<vmem>>, vector<16xi32>,
        %mul3A_189 = arith.constant 16 : i32
        %mul3A_190 = arith.muli %add3A_142, %mul3A_189 : i32
        %swap3A_191 = arith.constant 1 : i32
        %swap3A_192 = arith.index_cast %swap3A_191 : i32 to index
        %swap3A_193 = arith.index_cast %mul3A_190 : i32 to index
        %swap3A_194 = tpu.vector_load %arg11[%swap3A_192, %swap3A_193] {strides = array<i32>} : memref<2x128xi32, #tpu.memory_space<vmem>>, vector<16xi32>,
        tpu.vector_store %arg11[%swap3A_192, %swap3A_193], %add3A_173 {strides = array<i32>} : memref<2x128xi32, #tpu.memory_space<vmem>>, vector<16xi32>,
      }
      %scan3A_109 = arith.constant 8 : i32
      %mul3A_110 = arith.constant 128 : i32
      %mul3A_111 = arith.muli %add3A_99, %mul3A_110 : i32
      %add3A_112 = arith.addi %mul3A_2, %mul3A_111 : i32
      %multiple_of3A_113 = tpu.assume_multiple %add3A_112, 8 : i32
      %dma_start3A_114 = arith.constant 0 : i32
      %dma_start3A_115 = tpu.memref_slice %arg3[%multiple_of3A_113, %dma_start3A_114] : memref<1048576x128xf32, #tpu.memory_space<hbm>> -> memref<128x128xf32, #tpu.memory_space<hbm>>
      %dma_start3A_116 = arith.constant 0 : i32
      %dma_start3A_117 = tpu.memref_slice %arg3[%multiple_of3A_113, %dma_start3A_116] : memref<1048576x128xf32, #tpu.memory_space<hbm>> -> memref<128x128xf32, #tpu.memory_space<hbm>>
      tpu.enqueue_dma source(%arg7 : memref<128x128xf32, #tpu.memory_space<vmem>>) target(%dma_start3A_117 : memref<128x128xf32, #tpu.memory_space<hbm>>) target_semaphore(%arg15 : memref<!tpu.dma_semaphore, #tpu.memory_space<semaphore_mem>>)
      %add3A_118 = arith.constant 3 : i32
      %add3A_119 = arith.addi %add3A_61, %add3A_118 : i32
      %ge3A_120 = arith.constant 4 : i32
      %ge3A_121 = arith.cmpi sge, %add3A_119, %ge3A_120 : i32
      %convert_element_type3A_122 = arith.extui %ge3A_121 : i1 to i32
      %cond3A_123 = arith.constant 0 : i32
      %cond3A_124 = arith.cmpi ne, %convert_element_type3A_122, %cond3A_123 : i32
      scf.if %cond3A_124 {
        %mul3A_138 = arith.constant 128 : i32
        %mul3A_139 = arith.muli %add3A_119, %mul3A_138 : i32
        %add3A_140 = arith.addi %mul3A_2, %mul3A_139 : i32
        %multiple_of3A_141 = tpu.assume_multiple %add3A_140, 8 : i32
        %dma_wait3A_142 = arith.constant 0 : i32
        %dma_wait3A_143 = tpu.memref_slice %arg3[%multiple_of3A_141, %dma_wait3A_142] : memref<1048576x128xf32, #tpu.memory_space<hbm>> -> memref<128x128xf32, #tpu.memory_space<hbm>>
        %dma_wait3A_144 = arith.constant 0 : i32
        %dma_wait3A_145 = tpu.memref_slice %arg3[%multiple_of3A_141, %dma_wait3A_144] : memref<1048576x128xf32, #tpu.memory_space<hbm>> -> memref<128x128xf32, #tpu.memory_space<hbm>>
        tpu.wait_dma2 semaphore(%arg16 : memref<!tpu.dma_semaphore, #tpu.memory_space<semaphore_mem>>) src(%arg8 : memref<128x128xf32, #tpu.memory_space<vmem>>) dst(%dma_wait3A_145 : memref<128x128xf32, #tpu.memory_space<hbm>>)
        %scan3A_146 = arith.constant 0 : i32
        %scan3A_147 = arith.constant 8 : i32
        %scan3A_148 = arith.addi %scan3A_146, %scan3A_147 : i32
        %scan3A_149 = arith.constant 1 : i32
        scf.for %scan3A_151 = %scan3A_146 to %scan3A_148 step %scan3A_149  : i32 {
          %mul3A_152 = arith.constant 1 : i32
          %mul3A_153 = arith.muli %scan3A_151, %mul3A_152 : i32
          %add3A_154 = arith.constant 0 : i32
          %add3A_155 = arith.addi %add3A_154, %mul3A_153 : i32
          %mul3A_156 = arith.constant 16 : i32
          %mul3A_157 = arith.muli %add3A_155, %mul3A_156 : i32
          %get3A = arith.constant 0 : i32
          %get3A_158 = arith.index_cast %get3A : i32 to index
          %get3A_159 = arith.index_cast %mul3A_157 : i32 to index
          %get3A_160 = tpu.vector_load %arg12[%get3A_158, %get3A_159] {strides = array<i32>} : memref<2x128xi32, #tpu.memory_space<vmem>>, vector<16xi32>,
          %shift_right_logical3A = arith.constant 7 : i32
          %shift_right_logical3A_161 = vector.broadcast %shift_right_logical3A : i32 to vector<16xi32>
          %shift_right_logical3A_162 = arith.shrui %get3A_160, %shift_right_logical3A_161 : vector<16xi32>
          %and3A = arith.constant 127 : i32
          %and3A_163 = vector.broadcast %and3A : i32 to vector<16xi32>
          %and3A_164 = arith.andi %get3A_160, %and3A_163 : vector<16xi32>
          tpu.vector_store_idx %arg8[%shift_right_logical3A_162, %and3A_164], %broadcast_in_dim3A_6 : memref<128x128xf32, #tpu.memory_space<vmem>>[vector<16xi32>, vector<16xi32>], vector<16xf32>,
          %mul3A_165 = arith.constant 16 : i32
          %mul3A_166 = arith.muli %add3A_155, %mul3A_165 : i32
          %get3A_167 = arith.constant 1 : i32
          %get3A_168 = arith.index_cast %get3A_167 : i32 to index
          %get3A_169 = arith.index_cast %mul3A_166 : i32 to index
          %get3A_170 = tpu.vector_load %arg12[%get3A_168, %get3A_169] {strides = array<i32>} : memref<2x128xi32, #tpu.memory_space<vmem>>, vector<16xi32>,
          %shift_right_logical3A_171 = arith.constant 7 : i32
          %shift_right_logical3A_172 = vector.broadcast %shift_right_logical3A_171 : i32 to vector<16xi32>
          %shift_right_logical3A_173 = arith.shrui %get3A_170, %shift_right_logical3A_172 : vector<16xi32>
          %and3A_174 = arith.constant 127 : i32
          %and3A_175 = vector.broadcast %and3A_174 : i32 to vector<16xi32>
          %and3A_176 = arith.andi %get3A_170, %and3A_175 : vector<16xi32>
          tpu.vector_store_idx %arg8[%shift_right_logical3A_173, %and3A_176], %broadcast_in_dim3A_6 : memref<128x128xf32, #tpu.memory_space<vmem>>[vector<16xi32>, vector<16xi32>], vector<16xf32>,
        }
        %scan3A_150 = arith.constant 8 : i32
      } else {
      }
      %scan3A_125 = arith.constant 0 : i32
      %scan3A_126 = arith.constant 8 : i32
      %scan3A_127 = arith.addi %scan3A_125, %scan3A_126 : i32
      %scan3A_128 = arith.constant 1 : i32
      scf.for %scan3A_138 = %scan3A_125 to %scan3A_127 step %scan3A_128  : i32 {
        %mul3A_139 = arith.constant 1 : i32
        %mul3A_140 = arith.muli %scan3A_138, %mul3A_139 : i32
        %add3A_141 = arith.constant 0 : i32
        %add3A_142 = arith.addi %add3A_141, %mul3A_140 : i32
        %mul3A_143 = arith.constant 128 : i32
        %mul3A_144 = arith.muli %add3A_119, %mul3A_143 : i32
        %mul3A_145 = arith.constant 16 : i32
        %mul3A_146 = arith.muli %add3A_142, %mul3A_145 : i32
        %add3A_147 = arith.addi %mul3A_144, %mul3A_146 : i32
        %get3A = arith.index_cast %add3A_147 : i32 to index
        %get3A_148 = tpu.vector_load %arg4[%get3A] {strides = array<i32>} : memref<32768xf32, #tpu.memory_space<vmem>>, vector<16xf32>,
        %max3A = arith.constant -1.000000e+01 : f32
        %max3A_149 = vector.broadcast %max3A : f32 to vector<16xf32>
        %max3A_150 = arith.maximumf %get3A_148, %max3A_149 : vector<16xf32>
        %min3A = arith.constant 1.000000e+01 : f32
        %min3A_151 = vector.broadcast %min3A : f32 to vector<16xf32>
        %min3A_152 = arith.minimumf %max3A_150, %min3A_151 : vector<16xf32>
        %sub3A = arith.constant -1.000000e+01 : f32
        %sub3A_153 = vector.broadcast %sub3A : f32 to vector<16xf32>
        %sub3A_154 = arith.subf %min3A_152, %sub3A_153 : vector<16xf32>
        %div3A = arith.constant 4.000000e-01 : f32
        %div3A_155 = vector.broadcast %div3A : f32 to vector<16xf32>
        %div3A_156 = arith.divf %sub3A_154, %div3A_155 : vector<16xf32>
        %convert_element_type3A_157 = arith.fptosi %div3A_156 : vector<16xf32> to vector<16xi32>
        %convert_element_type3A_158 = arith.sitofp %convert_element_type3A_157 : vector<16xi32> to vector<16xf32>
        %sub3A_159 = arith.subf %div3A_156, %convert_element_type3A_158 : vector<16xf32>
        %sub3A_160 = arith.constant 1.000000e+00 : f32
        %sub3A_161 = vector.broadcast %sub3A_160 : f32 to vector<16xf32>
        %sub3A_162 = arith.subf %sub3A_161, %sub3A_159 : vector<16xf32>
        %lt3A = arith.constant 5.000000e+01 : f32
        %lt3A_163 = vector.broadcast %lt3A : f32 to vector<16xf32>
        %lt3A_164 = arith.cmpf olt, %div3A_156, %lt3A_163 : vector<16xf32>
        %jit3A = arith.constant 0.000000e+00 : f32
        %broadcast_in_dim3A_165 = vector.broadcast %jit3A : f32 to vector<16xf32>
        %select_n3A = arith.select %lt3A_164, %sub3A_159, %broadcast_in_dim3A_165 : vector<16xi1>, vector<16xf32>
        %mul3A_166 = arith.constant 2048 : i32
        %mul3A_167 = arith.muli %add3A_142, %mul3A_166 : i32
        %add3A_168 = vector.broadcast %mul3A_167 : i32 to vector<16xi32>
        %add3A_169 = arith.addi %mul3A_5, %add3A_168 : vector<16xi32>
        %add3A_170 = arith.addi %add3A_169, %convert_element_type3A_157 : vector<16xi32>
        %add3A_171 = arith.constant 1 : i32
        %add3A_172 = vector.broadcast %add3A_171 : i32 to vector<16xi32>
        %add3A_173 = arith.addi %add3A_170, %add3A_172 : vector<16xi32>
        %shift_right_logical3A = arith.constant 7 : i32
        %shift_right_logical3A_174 = vector.broadcast %shift_right_logical3A : i32 to vector<16xi32>
        %shift_right_logical3A_175 = arith.shrui %add3A_173, %shift_right_logical3A_174 : vector<16xi32>
        %and3A = arith.constant 127 : i32
        %and3A_176 = vector.broadcast %and3A : i32 to vector<16xi32>
        %and3A_177 = arith.andi %add3A_173, %and3A_176 : vector<16xi32>
        tpu.vector_store_idx %arg8[%shift_right_logical3A_175, %and3A_177], %select_n3A : memref<128x128xf32, #tpu.memory_space<vmem>>[vector<16xi32>, vector<16xi32>], vector<16xf32>,
        %shift_right_logical3A_178 = arith.constant 7 : i32
        %shift_right_logical3A_179 = vector.broadcast %shift_right_logical3A_178 : i32 to vector<16xi32>
        %shift_right_logical3A_180 = arith.shrui %add3A_170, %shift_right_logical3A_179 : vector<16xi32>
        %and3A_181 = arith.constant 127 : i32
        %and3A_182 = vector.broadcast %and3A_181 : i32 to vector<16xi32>
        %and3A_183 = arith.andi %add3A_170, %and3A_182 : vector<16xi32>
        tpu.vector_store_idx %arg8[%shift_right_logical3A_180, %and3A_183], %sub3A_162 : memref<128x128xf32, #tpu.memory_space<vmem>>[vector<16xi32>, vector<16xi32>], vector<16xf32>,
        %mul3A_184 = arith.constant 16 : i32
        %mul3A_185 = arith.muli %add3A_142, %mul3A_184 : i32
        %swap3A = arith.constant 0 : i32
        %swap3A_186 = arith.index_cast %swap3A : i32 to index
        %swap3A_187 = arith.index_cast %mul3A_185 : i32 to index
        %swap3A_188 = tpu.vector_load %arg12[%swap3A_186, %swap3A_187] {strides = array<i32>} : memref<2x128xi32, #tpu.memory_space<vmem>>, vector<16xi32>,
        tpu.vector_store %arg12[%swap3A_186, %swap3A_187], %add3A_170 {strides = array<i32>} : memref<2x128xi32, #tpu.memory_space<vmem>>, vector<16xi32>,
        %mul3A_189 = arith.constant 16 : i32
        %mul3A_190 = arith.muli %add3A_142, %mul3A_189 : i32
        %swap3A_191 = arith.constant 1 : i32
        %swap3A_192 = arith.index_cast %swap3A_191 : i32 to index
        %swap3A_193 = arith.index_cast %mul3A_190 : i32 to index
        %swap3A_194 = tpu.vector_load %arg12[%swap3A_192, %swap3A_193] {strides = array<i32>} : memref<2x128xi32, #tpu.memory_space<vmem>>, vector<16xi32>,
        tpu.vector_store %arg12[%swap3A_192, %swap3A_193], %add3A_173 {strides = array<i32>} : memref<2x128xi32, #tpu.memory_space<vmem>>, vector<16xi32>,
      }
      %scan3A_129 = arith.constant 8 : i32
      %mul3A_130 = arith.constant 128 : i32
      %mul3A_131 = arith.muli %add3A_119, %mul3A_130 : i32
      %add3A_132 = arith.addi %mul3A_2, %mul3A_131 : i32
      %multiple_of3A_133 = tpu.assume_multiple %add3A_132, 8 : i32
      %dma_start3A_134 = arith.constant 0 : i32
      %dma_start3A_135 = tpu.memref_slice %arg3[%multiple_of3A_133, %dma_start3A_134] : memref<1048576x128xf32, #tpu.memory_space<hbm>> -> memref<128x128xf32, #tpu.memory_space<hbm>>
      %dma_start3A_136 = arith.constant 0 : i32
      %dma_start3A_137 = tpu.memref_slice %arg3[%multiple_of3A_133, %dma_start3A_136] : memref<1048576x128xf32, #tpu.memory_space<hbm>> -> memref<128x128xf32, #tpu.memory_space<hbm>>
      tpu.enqueue_dma source(%arg8 : memref<128x128xf32, #tpu.memory_space<vmem>>) target(%dma_start3A_137 : memref<128x128xf32, #tpu.memory_space<hbm>>) target_semaphore(%arg16 : memref<!tpu.dma_semaphore, #tpu.memory_space<semaphore_mem>>)
    }
    %scan3A_30 = arith.constant 64 : i32
    %add3A_31 = arith.constant 32256 : i32
    %add3A_32 = arith.addi %mul3A_2, %add3A_31 : i32
    %multiple_of3A = tpu.assume_multiple %add3A_32, 8 : i32
    %dma_wait3A = arith.constant 0 : i32
    %dma_wait3A_33 = tpu.memref_slice %arg3[%multiple_of3A, %dma_wait3A] : memref<1048576x128xf32, #tpu.memory_space<hbm>> -> memref<128x128xf32, #tpu.memory_space<hbm>>
    %dma_wait3A_34 = arith.constant 0 : i32
    %dma_wait3A_35 = tpu.memref_slice %arg3[%multiple_of3A, %dma_wait3A_34] : memref<1048576x128xf32, #tpu.memory_space<hbm>> -> memref<128x128xf32, #tpu.memory_space<hbm>>
    tpu.wait_dma2 semaphore(%arg13 : memref<!tpu.dma_semaphore, #tpu.memory_space<semaphore_mem>>) src(%arg5 : memref<128x128xf32, #tpu.memory_space<vmem>>) dst(%dma_wait3A_35 : memref<128x128xf32, #tpu.memory_space<hbm>>)
    %add3A_36 = arith.constant 32384 : i32
    %add3A_37 = arith.addi %mul3A_2, %add3A_36 : i32
    %multiple_of3A_38 = tpu.assume_multiple %add3A_37, 8 : i32
    %dma_wait3A_39 = arith.constant 0 : i32
    %dma_wait3A_40 = tpu.memref_slice %arg3[%multiple_of3A_38, %dma_wait3A_39] : memref<1048576x128xf32, #tpu.memory_space<hbm>> -> memref<128x128xf32, #tpu.memory_space<hbm>>
    %dma_wait3A_41 = arith.constant 0 : i32
    %dma_wait3A_42 = tpu.memref_slice %arg3[%multiple_of3A_38, %dma_wait3A_41] : memref<1048576x128xf32, #tpu.memory_space<hbm>> -> memref<128x128xf32, #tpu.memory_space<hbm>>
    tpu.wait_dma2 semaphore(%arg14 : memref<!tpu.dma_semaphore, #tpu.memory_space<semaphore_mem>>) src(%arg6 : memref<128x128xf32, #tpu.memory_space<vmem>>) dst(%dma_wait3A_42 : memref<128x128xf32, #tpu.memory_space<hbm>>)
    %add3A_43 = arith.constant 32512 : i32
    %add3A_44 = arith.addi %mul3A_2, %add3A_43 : i32
    %multiple_of3A_45 = tpu.assume_multiple %add3A_44, 8 : i32
    %dma_wait3A_46 = arith.constant 0 : i32
    %dma_wait3A_47 = tpu.memref_slice %arg3[%multiple_of3A_45, %dma_wait3A_46] : memref<1048576x128xf32, #tpu.memory_space<hbm>> -> memref<128x128xf32, #tpu.memory_space<hbm>>
    %dma_wait3A_48 = arith.constant 0 : i32
    %dma_wait3A_49 = tpu.memref_slice %arg3[%multiple_of3A_45, %dma_wait3A_48] : memref<1048576x128xf32, #tpu.memory_space<hbm>> -> memref<128x128xf32, #tpu.memory_space<hbm>>
    tpu.wait_dma2 semaphore(%arg15 : memref<!tpu.dma_semaphore, #tpu.memory_space<semaphore_mem>>) src(%arg7 : memref<128x128xf32, #tpu.memory_space<vmem>>) dst(%dma_wait3A_49 : memref<128x128xf32, #tpu.memory_space<hbm>>)
    %add3A_50 = arith.constant 32640 : i32
    %add3A_51 = arith.addi %mul3A_2, %add3A_50 : i32
    %multiple_of3A_52 = tpu.assume_multiple %add3A_51, 8 : i32
    %dma_wait3A_53 = arith.constant 0 : i32
    %dma_wait3A_54 = tpu.memref_slice %arg3[%multiple_of3A_52, %dma_wait3A_53] : memref<1048576x128xf32, #tpu.memory_space<hbm>> -> memref<128x128xf32, #tpu.memory_space<hbm>>
    %dma_wait3A_55 = arith.constant 0 : i32
    %dma_wait3A_56 = tpu.memref_slice %arg3[%multiple_of3A_52, %dma_wait3A_55] : memref<1048576x128xf32, #tpu.memory_space<hbm>> -> memref<128x128xf32, #tpu.memory_space<hbm>>
    tpu.wait_dma2 semaphore(%arg16 : memref<!tpu.dma_semaphore, #tpu.memory_space<semaphore_mem>>) src(%arg8 : memref<128x128xf32, #tpu.memory_space<vmem>>) dst(%dma_wait3A_56 : memref<128x128xf32, #tpu.memory_space<hbm>>)
    return
  }
}

</mosaic_0001>

<sc_bundles>
// kernel: kernel.3.cloned.1.call-start
scs
__scs_entry_jumppad:
0x0: {  	(pc) =	sbr.rel $0x88, $3  }
0x1: {  	(tag) =	ssettag $0x0;
	lr =	simm.s32 $0x1  }
0x2: {  	[smem:$0x3FA0] =	sst lr;
	_ =	strace $0xD0000000  }
0x3: {  	_ = 	snop  }
0x4: {  	_ = 	snop  }
0x5: {  	_ = 	snop  }
0x6: {  	_ = 	snop  }
0x7: {  	_ = 	snop  }
__scs_overlays_trampoline_lowered:
0x8: {  	[smem:$0x3FAF] =	sst s0  }
0x9: {  	[smem:$0x3FB0] =	sst s1  }
0xa: {  	[smem:$0x3FB1] =	sst s2  }
0xb: {  	[smem:$0x3FB2] =	sst s3  }
0xc: {  	[smem:$0x3FB3] =	sst s4  }
0xd: {  	[smem:$0x3FB4] =	sst s5  }
0xe: {  	[smem:$0x3FB5] =	sst s6  }
0xf: {  	[smem:$0x3FB6] =	sst s7  }
0x10: {  	[smem:$0x3FB7] =	sst s8  }
0x11: {  	[smem:$0x3FB8] =	sst s9;
	s0 =	simm.s32 @!p0 $0x0  }
0x12: {  	s1 =	sld [smem:$0x3F9E];
	s0 =	simm.s32 @p0 $0x1  }
0x13: {  	[smem:$0x3FB9] =	sst s0;
	s0 =	simm.s32 @!p1 $0x0  }
0x14: {  	s2 =	sld [smem:$0x3F9D];
	s0 =	simm.s32 @p1 $0x1  }
0x15: {  	[smem:$0x3FBA] =	sst s0;
	s0 =	simm.s32 @!p2 $0x0  }
0x16: {  	s3 =	sld [smem:$0x3FDB];
	s0 =	simm.s32 @p2 $0x1  }
0x17: {  	s4 =	simm.s32 $0x1BF5;
	[smem:$0x3FBC] =	sst s0  }
0x18: {  	s0 =	sld [smem:$0x3F9F];
	_ =	swait.ge [sflag:s4], $0x0  }
0x19: {  	s7 =	sld [smem:$0x3FA0]  }
0x1a: {  	s8 =	sadd.s32 $0xFFFFE003, lr  }
0x1b: {  	s9 =	sadd.s32 $0xFFFFFEF7, lr;
	s5 =	simm.s32 $0xFFFFFFFF;
	p2 =	slt.u32 s8, $0xFFFFF086  }
0x1c: {  	p1 =	slt.u32 s9, $0xF7A;
	s5 =	simm.s32 @!p2 $0x0  }
0x1d: {  	s5 =	simm.s32 @p1 $0x1;
	p0 =	seq.s32 s7, s2  }
0x1e: {  	s7 =	smul.u32 @!p0 $0xF7A, s2;
	p2 =	seq.s32 @!p0 s5, $0x0  }
0x1f: {  	s9 =	smul.u32 $0xF7A, s1;
	s8 =	simm.s32 @!p0 $0x1BF5;
	p2 =	por !p2, p0  }
0x20: {  	[sflag:s8] =	ssyncset.s32 @!p0 $0xFFFFF086;
	s6 =	sadd.s32 @!p0 s3, s7;
	s7 =	simm.s32 @!p0 $0x108  }
0x21: {  	s3 =	sadd.s32 s3, s9;
	s6 =	sadd.s32 @!p0 $0x88, s6;
	s7 =	simm.s32 @p2 $0x1082  }
0x22: {  	[simem:s7], [sflag:s8] =	dma.local @!p0 [hbm:s6], $0xF7A  }
0x23: {  	s9 =	sor.u32 $0xD0000000, s2;
	s6 =	simm.s32 $0x108;
	_ =	swait.ge @!p0 [sflag:s8], $0x0  }
0x24: {  	s3 =	sadd.s32 $0x88, s3;
	s6 =	simm.s32 @!p1 $0x1082;
	[sflag:s4] =	ssyncset.s32 $0xFFFFF086  }
0x25: {  	[simem:s6], [sflag:s4] =	dma.local [hbm:s3], $0xF7A  }
0x26: {  	[smem:$0x3FA0] =	sst s1;
	(tag) =	ssettag s2;
	_ =	strace s9  }
0x27: {  	s1 =	sld [smem:$0x3FB0]  }
0x28: {  	s2 =	sld [smem:$0x3FB1]  }
0x29: {  	s4 =	sld [smem:$0x3FB3]  }
0x2a: {  	p0 =	seq.s32 s5, $0x0;
	s5 =	sld [smem:$0x3FB4]  }
0x2b: {  	s6 =	sld [smem:$0x3FB5]  }
0x2c: {  	s7 =	sld [smem:$0x3FB6]  }
0x2d: {  	s3 =	simm.s32 $0x108;
	s8 =	sld [smem:$0x3FB7]  }
0x2e: {  	s3 =	simm.s32 @!p0 $0x1082;
	s9 =	sld [smem:$0x3FB8]  }
0x2f: {  	lr =	sadd.s32 s0, s3;
	s0 =	sld [smem:$0x3FAF]  }
0x30: {  	s3 =	sld [smem:$0x3FB2]  }
0x31: {  	[smem:$0x3FBB] =	sst s10  }
0x32: {  	s10 =	sld [smem:$0x3FB9];
	_ =	sdelay $0x3  }
0x33: {  	p0 =	seq.s32 s10, $0x1;
	s10 =	sld [smem:$0x3FBB];
	_ =	sdelay $0x3  }
0x34: {  	[smem:$0x3FBB] =	sst s10  }
0x35: {  	s10 =	sld [smem:$0x3FBA];
	_ =	sdelay $0x3  }
0x36: {  	p1 =	seq.s32 s10, $0x1;
	s10 =	sld [smem:$0x3FBB];
	_ =	sdelay $0x3  }
0x37: {  	[smem:$0x3FBB] =	sst s10  }
0x38: {  	s10 =	sld [smem:$0x3FBC]  }
0x39: {  	_ = 	snop;
	(pc) =	sbr.ind lr, $3  }
0x3a: {  	_ = 	snop  }
0x3b: {  	_ = 	snop  }
0x3c: {  	p2 =	seq.s32 s10, $0x1;
	s10 =	sld [smem:$0x3FBB]  }
0x3d: {  	_ =	shalt  }
0x3e: {  	_ =	shalt  }
0x3f: {  	_ =	shalt  }
0x40: {  	_ =	shalt  }
0x41: {  	_ =	shalt  }
0x42: {  	_ =	shalt  }
0x43: {  	_ =	shalt  }
0x44: {  	_ =	shalt  }
0x45: {  	_ =	shalt  }
0x46: {  	_ =	shalt  }
0x47: {  	_ =	shalt  }
0x48: {  	_ =	shalt  }
0x49: {  	_ =	shalt  }
0x4a: {  	_ =	shalt  }
0x4b: {  	_ =	shalt  }
0x4c: {  	_ =	shalt  }
0x4d: {  	_ =	shalt  }
0x4e: {  	_ =	shalt  }
0x4f: {  	_ =	shalt  }
0x50: {  	_ =	shalt  }
0x51: {  	_ =	shalt  }
0x52: {  	_ =	shalt  }
0x53: {  	_ =	shalt  }
0x54: {  	_ =	shalt  }
0x55: {  	_ =	shalt  }
0x56: {  	_ =	shalt  }
0x57: {  	_ =	shalt  }
0x58: {  	_ =	shalt  }
0x59: {  	_ =	shalt  }
0x5a: {  	_ =	shalt  }
0x5b: {  	_ =	shalt  }
0x5c: {  	_ =	shalt  }
0x5d: {  	_ =	shalt  }
0x5e: {  	_ =	shalt  }
0x5f: {  	_ =	shalt  }
0x60: {  	_ =	shalt  }
0x61: {  	_ =	shalt  }
0x62: {  	_ =	shalt  }
0x63: {  	_ =	shalt  }
0x64: {  	_ =	shalt  }
0x65: {  	_ =	shalt  }
0x66: {  	_ =	shalt  }
0x67: {  	_ =	shalt  }
0x68: {  	_ =	shalt  }
0x69: {  	_ =	shalt  }
0x6a: {  	_ =	shalt  }
0x6b: {  	_ =	shalt  }
0x6c: {  	_ =	shalt  }
0x6d: {  	_ =	shalt  }
0x6e: {  	_ =	shalt  }
0x6f: {  	_ =	shalt  }
0x70: {  	_ =	shalt  }
0x71: {  	_ =	shalt  }
0x72: {  	_ =	shalt  }
0x73: {  	_ =	shalt  }
0x74: {  	_ =	shalt  }
0x75: {  	_ =	shalt  }
0x76: {  	_ =	shalt  }
0x77: {  	_ =	shalt  }
0x78: {  	_ =	shalt  }
0x79: {  	_ =	shalt  }
0x7a: {  	_ =	shalt  }
0x7b: {  	_ =	shalt  }
0x7c: {  	_ =	shalt  }
0x7d: {  	_ =	shalt  }
0x7e: {  	_ =	shalt  }
0x7f: {  	_ =	shalt  }
0x80: {  	_ =	shalt  }
0x81: {  	_ =	shalt  }
0x82: {  	_ =	shalt  }
0x83: {  	_ =	shalt  }
0x84: {  	_ =	shalt  }
0x85: {  	_ =	shalt  }
0x86: {  	_ =	shalt  }
0x87: {  	_ =	shalt  }
.Lfunc_end0:
.L_simem_size_0:
called_computation.1_lowered:
.L_overlay_start_0:
0x88: {  	s2 =	sld [smem:$0x3FD9]  }
0x89: {  	s3 =	sld [smem:$0x3FFE];
	_ =	sdelay $0x1  }
0x8a: {  	s1 =	srdreg.scid  }
0x8b: {  	s0 =	sand.u32 $0x1, s1  }
0x8c: {  	s17 =	sshll.u32 s0, $0xA;
	s2 =	sadd.s32 s3, s2  }
0x8d: {  	s2 =	sadd.s32 s2, s17  }
0x8e: {  	[smem:$0x3FC7] =	sst s2  }
0x8f: {  	_ = 	snop  }
0x90: {  	s2 =	sld [smem:$0x3FC9];
	(tm) =	ssettm $0x1  }
0x91: {  	s18 =	sld [smem:$0x3FFB];
	_ =	sdelay $0x3  }
0x92: {  	_ =	strace s18  }
0x93: {  	s3 =	sld [smem:$0x3FFC];
	_ =	sdelay $0x3  }
0x94: {  	_ =	strace s3  }
0x95: {  	s3 =	sld [smem:$0x3FFD];
	_ =	sdelay $0x3  }
0x96: {  	_ =	strace s3  }
0x97: {  	_ =	strace $0x8FFFFFFF  }
0x98: {  	s19 =	sld [smem:$0x3FDB];
	_ =	sdelay $0x1  }
0x99: {  	s4 =	simm.s32 $_scs_section_size  }
0x9a: {  	s5 =	simm.s32 $_size__tile_overlayer_lowered;
	s6 =	simm.s32 $_tile_overlayer_lowered  }
0x9b: {  	s22 =	simm.s32 $0x1BFF;
	s21 =	sshll.u32 s6, $0x1;
	s3 =	sadd.s32 s4, s19  }
0x9c: {  	s7 =	simm.s32 $0x0;
	s20 =	sshll.u32 s5, $0x1;
	s5 =	sadd.s32 s21, s3  }
0x9d: {  	[timem:s7], [sflag:s22] =	dma.local [hbm:s5], s20  }
0x9e: {  	_ =	swait.ge [sflag:s22], s20  }
0x9f: {  	s4 =	ssub.s32 $0x0, s20;
	[sflag:s22] =	ssyncset.done $0x0  }
0xa0: {  	[sflag:s22] =	ssyncadd.s32 s4;
	_ =	sdelay $0x1  }
0xa1: {  	s23 =	simm.s32 $0x1B8B  }
0xa2: {  	_ =	swait.ge [sflag:s23], $0x1  }
0xa3: {  	[sflag:s23] =	ssyncset.done $0x0  }
0xa4: {  	s25 =	simm.s32 $0x1B8E;
	s24 =	sld [smem:$0x3FFE];
	[sflag:s23] =	ssyncadd.s32 $0xFFFFFFFF  }
0xa5: {  	s26 =	simm.s32 $execute0_lowered;
	[smem:$0x3FD2] =	sst s25  }
0xa6: {  	s5 =	sshll.u32 s26, $0x1;
	_ =	strace $0x80000046;
	[dreg:$0x1] =	wrdreg $0xFFFFFFFF  }
0xa7: {  	s28 =	simm.s32 $_size_execute0_lowered;
	s3 =	sadd.s32 s3, s5;
	[dreg:$0x0] =	wrdreg $0x0  }
0xa8: {  	s5 =	sshll.u32 s28, $0x1;
	[dreg:$0x2] =	wrdreg s3  }
0xa9: {  	[dreg:$0x3] =	wrdreg s5  }
0xaa: {  	[dreg:$0x4] =	wrdreg $0xC0  }
0xab: {  	_ =	task [dreg:s7], $0x5FFFF  }
0xac: {  	[dreg:$0x1] =	wrdreg $0xFFFFFFFF  }
0xad: {  	[dreg:$0x0] =	wrdreg $0x60  }
0xae: {  	[dreg:$0x2] =	wrdreg s2  }
0xaf: {  	[dreg:$0x3] =	wrdreg s24  }
0xb0: {  	[dreg:$0x4] =	wrdreg $0x9  }
0xb1: {  	_ =	task.clear_ibuf [dreg:s7], $0x5FFFF;
	_ =	strace $0x90000046  }
0xb2: {  	s29 =	simm.s32 $0x9;
	_ =	strace $0x80000048  }
0xb3: {  	_ =	swait.ge [sflag:s29], $0x1  }
0xb4: {  	[sflag:s29] =	ssyncadd.s32 $0xFFFFFFFF  }
0xb5: {  	_ =	strace $0x90000048  }
0xb6: {  	_ =	sfence  }
0xb7: {  	s30 =	sld [smem:$0x0];
	_ =	sdelay $0x2  }
0xb8: {  	s31 =	sshll.u32 s1, $0xD;
	s1 =	sshrl.u32 s1, $0x2  }
0xb9: {  	s3 =	sand.u32 $0x4000, s31;
	s1 =	sadd.s32 s1, s30  }
0xba: {  	s0 =	sor.u32 s3, s0;
	s1 =	sshll.u32 s1, $0x11  }
0xbb: {  	s0 =	sor.u32 s1, s0  }
0xbc: {  	s0 =	sadd.s32 $0x8F2B, s0  }
0xbd: {  	[sflag:s0] =	ssyncadd.remote.s32 $0x1  }
0xbe: {  	_ =	sfence.sel $0xFFFF  }
0xbf: {  	[dreg:$0x0] =	wrdreg $0xFFFFFFFF;
	(pc) =	sbr.abs _section_cstart, $3  }
0xc0: {  	[dreg:$0x1] =	wrdreg $0xFFFFFFFF  }
0xc1: {  	_ =	task.clear_ibuf [dreg:s7], $0x2FFFF;
	_ =	strace $0x9FFFFFFF  }
0xc2: {  	(tm) =	ssettm $0x7FFFFFFF  }
0xc3: {  	_ =	shalt  }
tec
execute0_lowered:
.L_overlay_start_1:
0x0: {  	(tag) =	ssettag $0x1  }
0x1: {  	s3 =	rddreg [dreg:$0x0]  }
0x2: {  	s4 =	rddreg [dreg:$0x1];
	s1 =	simm.s32 $0x0  }
0x3: {  	[smem:$0x7FF] =	sst s1  }
0x4: {  	s0 =	rddreg [dreg:$0x2];
	v0 =	vimm.f32 $4.000000060e-01;
	_ =	strace $0x80000047  }
0x5: {  	(erf) = vrcp.f32 v0  }
0x6: {  	s5 =	srdreg.scid  }
0x7: {  	s2 =	stileid.u32;
	s9 =	simm.s32 $0x10000;
	s10 =	simm.s32 $0x14000  }
0x8: {  	s11 =	simm.s32 $0x1;
	s12 =	simm.s32 $0x2;
	s5 =	sand.u32 $0x1, s5  }
0x9: {  	s13 =	simm.s32 $0x3;
	s6 =	sshll.u32 s2, $0x10;
	s7 =	sshll.u32 s5, $0xF  }
0xa: {  	s14 =	simm.s32 $0x4;
	s5 =	ssub.s32 $0x2, s5;
	s6 =	sor.u32 s7, s6  }
0xb: {  	s15 =	simm.s32 $0x0;
	s8 =	sshrl.u32 s5, $0x1;
	s7 =	sshll.u32 s6, $0x4  }
0xc: {  	s6 =	sshrl.u32 s6, $0x3;
	s5 =	ssub.s32 s5, s8;
	s8 =	simm.s32 $0xC000  }
0xd: {  	v2 =	vlaneseq.u32;
	s4 =	sadd.s32 s7, s4;
	s3 =	sadd.s32 s3, s6;
	s5 =	smax.u32 s5, $0x1  }
0xe: {  	v1 =	vimm.f32 $0.0e+00;
	v2 =	vmul.u32 $0x80, v2;
	s6 =	simm.s32 $0x5;
	s7 =	simm.s32 $0x8000;
	s4 =	sadd.s32 $0x800, s4;
	v0 =	vpop (erf)  }
.LBB2_1:
0xf: {  	s16 =	simm.s32 $0x0;
	s17 =	simm.s32 $0x200  }
.LBB2_2:
0x10: {  	p0 =	sne.s32 s17, $0xFE00;
	[tilespmem:s16+$0x8070] =	vst v1  }
0x11: {  	[tilespmem:s16+$0x8000] =	vst v1  }
0x12: {  	[tilespmem:s16+$0x8010] =	vst v1  }
.Ltmp0:
0x13: {  	[tilespmem:s16+$0x8020] =	vst v1;
	(pc) =	sbr.rel @p0 .LBB2_2-.Ltmp0, $4  }
0x14: {  	[tilespmem:s16+$0x8030] =	vst v1  }
0x15: {  	[tilespmem:s16+$0x8040] =	vst v1  }
0x16: {  	[tilespmem:s16+$0x8050] =	vst v1  }
0x17: {  	[tilespmem:s16+$0x8060] =	vst v1;
	s16 =	sshra.s32 s17, $0x2;
	s17 =	sadd.s32 $0x200, s17  }
0x18: {  	[tilespmem:s16+$0x8070] =	vst v1  }
0x19: {  	[tilespmem:s16+$0x8000] =	vst v1  }
0x1a: {  	[tilespmem:s16+$0x8010] =	vst v1  }
0x1b: {  	[tilespmem:s16+$0x8020] =	vst v1  }
0x1c: {  	[tilespmem:s16+$0x8030] =	vst v1  }
0x1d: {  	[tilespmem:s16+$0x8040] =	vst v1  }
0x1e: {  	[tilespmem:s16+$0x8050] =	vst v1  }
0x1f: {  	[tilespmem:s16+$0x8060] =	vst v1;
	s16 =	simm.s32 $0x0;
	s17 =	simm.s32 $0x200  }
.LBB2_4:
0x20: {  	p0 =	sne.s32 s17, $0xFE00;
	[tilespmem:s16+$0xC070] =	vst v1  }
0x21: {  	[tilespmem:s16+$0xC000] =	vst v1  }
0x22: {  	[tilespmem:s16+$0xC010] =	vst v1  }
.Ltmp1:
0x23: {  	[tilespmem:s16+$0xC020] =	vst v1;
	(pc) =	sbr.rel @p0 .LBB2_4-.Ltmp1, $4  }
0x24: {  	[tilespmem:s16+$0xC030] =	vst v1  }
0x25: {  	[tilespmem:s16+$0xC040] =	vst v1  }
0x26: {  	[tilespmem:s16+$0xC050] =	vst v1  }
0x27: {  	[tilespmem:s16+$0xC060] =	vst v1;
	s16 =	sshra.s32 s17, $0x2;
	s17 =	sadd.s32 $0x200, s17  }
0x28: {  	[tilespmem:s16+$0xC070] =	vst v1  }
0x29: {  	[tilespmem:s16+$0xC000] =	vst v1  }
0x2a: {  	[tilespmem:s16+$0xC010] =	vst v1  }
0x2b: {  	[tilespmem:s16+$0xC020] =	vst v1  }
0x2c: {  	[tilespmem:s16+$0xC030] =	vst v1  }
0x2d: {  	[tilespmem:s16+$0xC040] =	vst v1  }
0x2e: {  	[tilespmem:s16+$0xC050] =	vst v1  }
0x2f: {  	[tilespmem:s16+$0xC060] =	vst v1;
	s16 =	simm.s32 $0x0;
	s17 =	simm.s32 $0x200  }
.LBB2_6:
0x30: {  	p0 =	sne.s32 s17, $0xFE00;
	[tilespmem:s16+$0x10070] =	vst v1  }
0x31: {  	[tilespmem:s16+$0x10000] =	vst v1  }
0x32: {  	[tilespmem:s16+$0x10010] =	vst v1  }
.Ltmp2:
0x33: {  	[tilespmem:s16+$0x10020] =	vst v1;
	(pc) =	sbr.rel @p0 .LBB2_6-.Ltmp2, $4  }
0x34: {  	[tilespmem:s16+$0x10030] =	vst v1  }
0x35: {  	[tilespmem:s16+$0x10040] =	vst v1  }
0x36: {  	[tilespmem:s16+$0x10050] =	vst v1  }
0x37: {  	[tilespmem:s16+$0x10060] =	vst v1;
	s16 =	sshra.s32 s17, $0x2;
	s17 =	sadd.s32 $0x200, s17  }
0x38: {  	[tilespmem:s16+$0x10070] =	vst v1  }
0x39: {  	[tilespmem:s16+$0x10000] =	vst v1  }
0x3a: {  	[tilespmem:s16+$0x10010] =	vst v1  }
0x3b: {  	[tilespmem:s16+$0x10020] =	vst v1  }
0x3c: {  	[tilespmem:s16+$0x10030] =	vst v1  }
0x3d: {  	[tilespmem:s16+$0x10040] =	vst v1  }
0x3e: {  	[tilespmem:s16+$0x10050] =	vst v1  }
0x3f: {  	[tilespmem:s16+$0x10060] =	vst v1;
	s16 =	simm.s32 $0x0;
	s17 =	simm.s32 $0x200  }
.LBB2_8:
0x40: {  	p0 =	sne.s32 s17, $0xFE00;
	[tilespmem:s16+$0x14070] =	vst v1  }
0x41: {  	[tilespmem:s16+$0x14000] =	vst v1  }
0x42: {  	[tilespmem:s16+$0x14010] =	vst v1  }
.Ltmp3:
0x43: {  	[tilespmem:s16+$0x14020] =	vst v1;
	(pc) =	sbr.rel @p0 .LBB2_8-.Ltmp3, $4  }
0x44: {  	[tilespmem:s16+$0x14030] =	vst v1  }
0x45: {  	[tilespmem:s16+$0x14040] =	vst v1  }
0x46: {  	[tilespmem:s16+$0x14050] =	vst v1  }
0x47: {  	[tilespmem:s16+$0x14060] =	vst v1;
	s16 =	sshra.s32 s17, $0x2;
	s17 =	sadd.s32 $0x200, s17  }
0x48: {  	[tilespmem:s16+$0x14070] =	vst v1  }
0x49: {  	[tilespmem:s16+$0x14000] =	vst v1  }
0x4a: {  	[tilespmem:s16+$0x14010] =	vst v1  }
0x4b: {  	[tilespmem:s16+$0x14020] =	vst v1  }
0x4c: {  	[tilespmem:s16+$0x14030] =	vst v1  }
0x4d: {  	[tilespmem:s16+$0x14040] =	vst v1  }
0x4e: {  	[tilespmem:s16+$0x14050] =	vst v1  }
0x4f: {  	[tilespmem:s16+$0x14060] =	vst v1;
	s16 =	simm.s32 $0x0  }
0x50: {  	[tilespmem:s16], [sflag:$0x5] =	stream.linear.gather [hbm4b:s3+s16], $0x8000, $0x38;
	[tilespmem:$0x18400] =	vst v63  }
0x51: {  	s17 =	simm.s32 $0x80;
	_ =	swait.ge [sflag:s6], $0x8000  }
0x52: {  	s18 =	simm.s32 $0x100;
	s19 =	simm.s32 $0x180;
	[sflag:s6] =	ssyncset.done $0x0  }
0x53: {  	s20 =	simm.s32 $0x0;
	s21 =	simm.s32 $0x0;
	[sflag:s6] =	ssyncadd.s32 $0xFFFF8000  }
.LBB2_10:
0x54: {  	p0 =	seq.s32 s21, $0x0  }
0x55: {  	s22 =	simm.s32 @!p0 $0x1  }
0x56: {  	_ =	swait.ge @!p0 [sflag:s22], $0x4000  }
0x57: {  	[sflag:s22] =	ssyncset.done @!p0 $0x0  }
0x58: {  	[sflag:s22] =	ssyncadd.s32 @!p0 $0xFFFFC000  }
0x59: {  	v3 =	vld @!p0 [tilespmem:$0x18000];
	_ =	sdelay $0x6  }
0x5a: {  	v4 =	vimm.f32 @!p0 $0.0e+00;
	s22 =	simm.s32 @!p0 $0x8000  }
0x5b: {  	[tilespmem:v3+s22+$0x0] =	vst.idx.msk @!p0 $0xffff, v4  }
0x5c: {  	v3 =	vld @!p0 [tilespmem:$0x18080];
	_ =	sdelay $0x7  }
0x5d: {  	[tilespmem:v3+s22+$0x0] =	vst.idx.msk @!p0 $0xffff, v4  }
0x5e: {  	v3 =	vld @!p0 [tilespmem:$0x18010];
	_ =	sdelay $0x7  }
0x5f: {  	[tilespmem:v3+s22+$0x0] =	vst.idx.msk @!p0 $0xffff, v4  }
0x60: {  	v3 =	vld @!p0 [tilespmem:$0x18090];
	_ =	sdelay $0x7  }
0x61: {  	[tilespmem:v3+s22+$0x0] =	vst.idx.msk @!p0 $0xffff, v4  }
0x62: {  	v3 =	vld @!p0 [tilespmem:$0x18020];
	_ =	sdelay $0x7  }
0x63: {  	[tilespmem:v3+s22+$0x0] =	vst.idx.msk @!p0 $0xffff, v4  }
0x64: {  	v3 =	vld @!p0 [tilespmem:$0x180A0];
	_ =	sdelay $0x7  }
0x65: {  	[tilespmem:v3+s22+$0x0] =	vst.idx.msk @!p0 $0xffff, v4  }
0x66: {  	v3 =	vld @!p0 [tilespmem:$0x18030];
	_ =	sdelay $0x7  }
0x67: {  	[tilespmem:v3+s22+$0x0] =	vst.idx.msk @!p0 $0xffff, v4  }
0x68: {  	v3 =	vld @!p0 [tilespmem:$0x180B0];
	_ =	sdelay $0x7  }
0x69: {  	[tilespmem:v3+s22+$0x0] =	vst.idx.msk @!p0 $0xffff, v4  }
0x6a: {  	v3 =	vld @!p0 [tilespmem:$0x18040];
	_ =	sdelay $0x7  }
0x6b: {  	[tilespmem:v3+s22+$0x0] =	vst.idx.msk @!p0 $0xffff, v4  }
0x6c: {  	v3 =	vld @!p0 [tilespmem:$0x180C0];
	_ =	sdelay $0x7  }
0x6d: {  	[tilespmem:v3+s22+$0x0] =	vst.idx.msk @!p0 $0xffff, v4  }
0x6e: {  	v3 =	vld @!p0 [tilespmem:$0x18050];
	_ =	sdelay $0x7  }
0x6f: {  	[tilespmem:v3+s22+$0x0] =	vst.idx.msk @!p0 $0xffff, v4  }
0x70: {  	v3 =	vld @!p0 [tilespmem:$0x180D0];
	_ =	sdelay $0x7  }
0x71: {  	[tilespmem:v3+s22+$0x0] =	vst.idx.msk @!p0 $0xffff, v4  }
0x72: {  	v3 =	vld @!p0 [tilespmem:$0x18060];
	_ =	sdelay $0x7  }
0x73: {  	[tilespmem:v3+s22+$0x0] =	vst.idx.msk @!p0 $0xffff, v4  }
0x74: {  	v3 =	vld @!p0 [tilespmem:$0x180E0];
	_ =	sdelay $0x7  }
0x75: {  	[tilespmem:v3+s22+$0x0] =	vst.idx.msk @!p0 $0xffff, v4  }
0x76: {  	v3 =	vld @!p0 [tilespmem:$0x18070];
	_ =	sdelay $0x7  }
0x77: {  	[tilespmem:v3+s22+$0x0] =	vst.idx.msk @!p0 $0xffff, v4  }
0x78: {  	v3 =	vld @!p0 [tilespmem:$0x180F0];
	_ =	sdelay $0x7  }
0x79: {  	[tilespmem:v3+s22+$0x0] =	vst.idx.msk @!p0 $0xffff, v4  }
0x7a: {  	v3 =	vld [tilespmem:s20+$0x0];
	_ =	sdelay $0x4  }
0x7b: {  	v3 =	vmax.f32 v3, $-1.000000000e+01  }
0x7c: {  	v3 =	vmin.f32 v3, $1.000000000e+01  }
0x7d: {  	v3 =	vadd.f32 $1.000000000e+01, v3;
	_ =	sdelay $0x1  }
0x7e: {  	v5 =	vmul.f32 v3, v0;
	_ =	sdelay $0x1  }
0x7f: {  	v3 =	vtrunc.f32 v5  }
0x80: {  	v3 =	vcvt.f32.s32 v3;
	_ =	sdelay $0x1  }
0x81: {  	v4 =	vadd.s32 s16, v3  }
0x82: {  	v4 =	vadd.s32 v2, v4  }
0x83: {  	v6 =	vcvt.s32.f32 v3;
	v3 =	vadd.s32 $0x1, v4;
	_ =	sdelay $0x1  }
0x84: {  	v6 =	vsub.f32 v5, v6  }
0x85: {  	vm0 =	vlt.f32 v5, $5.000000000e+01  }
0x86: {  	v5 =	vsub.f32 $1.000000000e+00, v6;
	v6 =	vnsel vm0, $0x0, v6  }
0x87: {  	s23 =	simm.s32 $0x18080;
	s24 =	simm.s32 $0x800;
	[tilespmem:v3+s7+$0x0] =	vst.idx.msk $0xffff, v6  }
0x88: {  	s25 =	simm.s32 $0x18080;
	s26 =	smov.u32 s20;
	s22 =	sshll.u32 s21, $0x2;
	[tilespmem:v4+s7+$0x0] =	vst.idx.msk $0xffff, v5  }
.LBB2_11:
0x89: {  	p1 =	sne.s32 s24, $0x3800;
	[tilespmem:s23+$0xFFFFFF80] =	vst v4;
	s25 =	sadd.s32 $0x10, s25;
	s26 =	sadd.s32 $0x10, s26  }
0x8a: {  	s28 =	smov.u32 s24;
	s24 =	sadd.s32 $0x800, s24;
	[tilespmem:s23+$0x0] =	vst v3;
	s23 =	smov.u32 s25  }
0x8b: {  	v3 =	vld [tilespmem:s26+$0x0];
	_ =	sdelay $0x4  }
0x8c: {  	v3 =	vmax.f32 v3, $-1.000000000e+01  }
0x8d: {  	v3 =	vmin.f32 v3, $1.000000000e+01  }
0x8e: {  	v3 =	vadd.f32 $1.000000000e+01, v3;
	_ =	sdelay $0x1  }
0x8f: {  	v5 =	vmul.f32 v3, v0;
	_ =	sdelay $0x1  }
0x90: {  	v3 =	vtrunc.f32 v5  }
0x91: {  	v3 =	vcvt.f32.s32 v3;
	_ =	sdelay $0x1  }
0x92: {  	v6 =	vcvt.s32.f32 v3;
	v3 =	vadd.s32 s28, v3  }
0x93: {  	v4 =	vadd.s32 v2, v3  }
0x94: {  	v6 =	vsub.f32 v5, v6;
	v3 =	vadd.s32 $0x1, v4;
	_ =	sdelay $0x1  }
.Ltmp4:
0x95: {  	(pc) =	sbr.rel @p1 .LBB2_11-.Ltmp4, $4  }
0x96: {  	vm0 =	vlt.f32 v5, $5.000000000e+01  }
0x97: {  	v5 =	vsub.f32 $1.000000000e+00, v6;
	v6 =	vnsel vm0, $0x0, v6  }
0x98: {  	[tilespmem:v3+s7+$0x0] =	vst.idx.msk $0xffff, v6  }
0x99: {  	[tilespmem:v4+s7+$0x0] =	vst.idx.msk $0xffff, v5  }
0x9a: {  	[tilespmem:s23+$0xFFFFFF80] =	vst v4;
	s24 =	sshll.u32 s21, $0xD  }
0x9b: {  	[tilespmem:s23+$0x0] =	vst v3;
	s23 =	simm.s32 @!p0 $0x2;
	s30 =	sadd.s32 s24, s4  }
0x9c: {  	[hbm4b:s30+s1] =	stream.linear.scatter [tilespmem:s7], [sflag:$0x1], $0x4000, $0x38;
	[tilespmem:$0x18400] =	vst v63  }
0x9d: {  	_ =	swait.ge @!p0 [sflag:s23], $0x4000  }
0x9e: {  	[sflag:s23] =	ssyncset.done @!p0 $0x0  }
0x9f: {  	[sflag:s23] =	ssyncadd.s32 @!p0 $0xFFFFC000  }
0xa0: {  	v3 =	vld @!p0 [tilespmem:$0x18100];
	_ =	sdelay $0x6  }
0xa1: {  	v4 =	vimm.f32 @!p0 $0.0e+00;
	s23 =	simm.s32 @!p0 $0xC000  }
0xa2: {  	[tilespmem:v3+s23+$0x0] =	vst.idx.msk @!p0 $0xffff, v4  }
0xa3: {  	v3 =	vld @!p0 [tilespmem:$0x18180];
	_ =	sdelay $0x7  }
0xa4: {  	[tilespmem:v3+s23+$0x0] =	vst.idx.msk @!p0 $0xffff, v4  }
0xa5: {  	v3 =	vld @!p0 [tilespmem:$0x18110];
	_ =	sdelay $0x7  }
0xa6: {  	[tilespmem:v3+s23+$0x0] =	vst.idx.msk @!p0 $0xffff, v4  }
0xa7: {  	v3 =	vld @!p0 [tilespmem:$0x18190];
	_ =	sdelay $0x7  }
0xa8: {  	[tilespmem:v3+s23+$0x0] =	vst.idx.msk @!p0 $0xffff, v4  }
0xa9: {  	v3 =	vld @!p0 [tilespmem:$0x18120];
	_ =	sdelay $0x7  }
0xaa: {  	[tilespmem:v3+s23+$0x0] =	vst.idx.msk @!p0 $0xffff, v4  }
0xab: {  	v3 =	vld @!p0 [tilespmem:$0x181A0];
	_ =	sdelay $0x7  }
0xac: {  	[tilespmem:v3+s23+$0x0] =	vst.idx.msk @!p0 $0xffff, v4  }
0xad: {  	v3 =	vld @!p0 [tilespmem:$0x18130];
	_ =	sdelay $0x7  }
0xae: {  	[tilespmem:v3+s23+$0x0] =	vst.idx.msk @!p0 $0xffff, v4  }
0xaf: {  	v3 =	vld @!p0 [tilespmem:$0x181B0];
	_ =	sdelay $0x7  }
0xb0: {  	[tilespmem:v3+s23+$0x0] =	vst.idx.msk @!p0 $0xffff, v4  }
0xb1: {  	v3 =	vld @!p0 [tilespmem:$0x18140];
	_ =	sdelay $0x7  }
0xb2: {  	[tilespmem:v3+s23+$0x0] =	vst.idx.msk @!p0 $0xffff, v4  }
0xb3: {  	v3 =	vld @!p0 [tilespmem:$0x181C0];
	_ =	sdelay $0x7  }
0xb4: {  	[tilespmem:v3+s23+$0x0] =	vst.idx.msk @!p0 $0xffff, v4  }
0xb5: {  	v3 =	vld @!p0 [tilespmem:$0x18150];
	_ =	sdelay $0x7  }
0xb6: {  	[tilespmem:v3+s23+$0x0] =	vst.idx.msk @!p0 $0xffff, v4  }
0xb7: {  	v3 =	vld @!p0 [tilespmem:$0x181D0];
	_ =	sdelay $0x7  }
0xb8: {  	[tilespmem:v3+s23+$0x0] =	vst.idx.msk @!p0 $0xffff, v4  }
0xb9: {  	v3 =	vld @!p0 [tilespmem:$0x18160];
	_ =	sdelay $0x7  }
0xba: {  	[tilespmem:v3+s23+$0x0] =	vst.idx.msk @!p0 $0xffff, v4  }
0xbb: {  	v3 =	vld @!p0 [tilespmem:$0x181E0];
	_ =	sdelay $0x7  }
0xbc: {  	[tilespmem:v3+s23+$0x0] =	vst.idx.msk @!p0 $0xffff, v4  }
0xbd: {  	v3 =	vld @!p0 [tilespmem:$0x18170];
	_ =	sdelay $0x7  }
0xbe: {  	[tilespmem:v3+s23+$0x0] =	vst.idx.msk @!p0 $0xffff, v4  }
0xbf: {  	v3 =	vld @!p0 [tilespmem:$0x181F0];
	_ =	sdelay $0x7  }
0xc0: {  	[tilespmem:v3+s23+$0x0] =	vst.idx.msk @!p0 $0xffff, v4  }
0xc1: {  	v3 =	vld [tilespmem:s17+$0x0];
	_ =	sdelay $0x4  }
0xc2: {  	v3 =	vmax.f32 v3, $-1.000000000e+01  }
0xc3: {  	v3 =	vmin.f32 v3, $1.000000000e+01  }
0xc4: {  	v3 =	vadd.f32 $1.000000000e+01, v3;
	_ =	sdelay $0x1  }
0xc5: {  	v5 =	vmul.f32 v3, v0;
	_ =	sdelay $0x1  }
0xc6: {  	v3 =	vtrunc.f32 v5  }
0xc7: {  	v3 =	vcvt.f32.s32 v3  }
0xc8: {  	s31 =	simm.s32 $0x0  }
0xc9: {  	v4 =	vadd.s32 s31, v3  }
0xca: {  	v4 =	vadd.s32 v2, v4  }
0xcb: {  	v6 =	vcvt.s32.f32 v3;
	v3 =	vadd.s32 $0x1, v4;
	_ =	sdelay $0x1  }
0xcc: {  	v6 =	vsub.f32 v5, v6  }
0xcd: {  	vm0 =	vlt.f32 v5, $5.000000000e+01  }
0xce: {  	v5 =	vsub.f32 $1.000000000e+00, v6;
	v6 =	vnsel vm0, $0x0, v6  }
0xcf: {  	s25 =	simm.s32 $0x800;
	s26 =	simm.s32 $0x18180;
	[tilespmem:v3+s8+$0x0] =	vst.idx.msk $0xffff, v6  }
0xd0: {  	s28 =	smov.u32 s17;
	s24 =	simm.s32 $0x18180;
	s23 =	sor.u32 $0x1, s22;
	[tilespmem:v4+s8+$0x0] =	vst.idx.msk $0xffff, v5  }
.LBB2_13:
0xd1: {  	p1 =	sne.s32 s25, $0x3800;
	[tilespmem:s24+$0xFFFFFF80] =	vst v4;
	s26 =	sadd.s32 $0x10, s26;
	s28 =	sadd.s32 $0x10, s28  }
0xd2: {  	s29 =	smov.u32 s25;
	s25 =	sadd.s32 $0x800, s25;
	[tilespmem:s24+$0x0] =	vst v3;
	s24 =	smov.u32 s26  }
0xd3: {  	v3 =	vld [tilespmem:s28+$0x0];
	_ =	sdelay $0x4  }
0xd4: {  	v3 =	vmax.f32 v3, $-1.000000000e+01  }
0xd5: {  	v3 =	vmin.f32 v3, $1.000000000e+01  }
0xd6: {  	v3 =	vadd.f32 $1.000000000e+01, v3;
	_ =	sdelay $0x1  }
0xd7: {  	v5 =	vmul.f32 v3, v0;
	_ =	sdelay $0x1  }
0xd8: {  	v3 =	vtrunc.f32 v5  }
0xd9: {  	v3 =	vcvt.f32.s32 v3;
	_ =	sdelay $0x1  }
0xda: {  	v6 =	vcvt.s32.f32 v3;
	v3 =	vadd.s32 s29, v3  }
0xdb: {  	v4 =	vadd.s32 v2, v3  }
0xdc: {  	v6 =	vsub.f32 v5, v6;
	v3 =	vadd.s32 $0x1, v4;
	_ =	sdelay $0x1  }
.Ltmp5:
0xdd: {  	(pc) =	sbr.rel @p1 .LBB2_13-.Ltmp5, $4  }
0xde: {  	vm0 =	vlt.f32 v5, $5.000000000e+01  }
0xdf: {  	v5 =	vsub.f32 $1.000000000e+00, v6;
	v6 =	vnsel vm0, $0x0, v6  }
0xe0: {  	[tilespmem:v3+s8+$0x0] =	vst.idx.msk $0xffff, v6  }
0xe1: {  	[tilespmem:v4+s8+$0x0] =	vst.idx.msk $0xffff, v5  }
0xe2: {  	[tilespmem:s24+$0xFFFFFF80] =	vst v4;
	s23 =	sshll.u32 s23, $0xB  }
0xe3: {  	[tilespmem:s24+$0x0] =	vst v3;
	s23 =	sadd.s32 s23, s4  }
0xe4: {  	[hbm4b:s23+s1] =	stream.linear.scatter [tilespmem:s8], [sflag:$0x2], $0x4000, $0x38;
	[tilespmem:$0x18400] =	vst v63  }
0xe5: {  	s23 =	simm.s32 @!p0 $0x3  }
0xe6: {  	_ =	swait.ge @!p0 [sflag:s23], $0x4000  }
0xe7: {  	[sflag:s23] =	ssyncset.done @!p0 $0x0  }
0xe8: {  	[sflag:s23] =	ssyncadd.s32 @!p0 $0xFFFFC000  }
0xe9: {  	v3 =	vld @!p0 [tilespmem:$0x18200];
	_ =	sdelay $0x6  }
0xea: {  	v4 =	vimm.f32 @!p0 $0.0e+00;
	s23 =	simm.s32 @!p0 $0x10000  }
0xeb: {  	[tilespmem:v3+s23+$0x0] =	vst.idx.msk @!p0 $0xffff, v4  }
0xec: {  	v3 =	vld @!p0 [tilespmem:$0x18280];
	_ =	sdelay $0x7  }
0xed: {  	[tilespmem:v3+s23+$0x0] =	vst.idx.msk @!p0 $0xffff, v4  }
0xee: {  	v3 =	vld @!p0 [tilespmem:$0x18210];
	_ =	sdelay $0x7  }
0xef: {  	[tilespmem:v3+s23+$0x0] =	vst.idx.msk @!p0 $0xffff, v4  }
0xf0: {  	v3 =	vld @!p0 [tilespmem:$0x18290];
	_ =	sdelay $0x7  }
0xf1: {  	[tilespmem:v3+s23+$0x0] =	vst.idx.msk @!p0 $0xffff, v4  }
0xf2: {  	v3 =	vld @!p0 [tilespmem:$0x18220];
	_ =	sdelay $0x7  }
0xf3: {  	[tilespmem:v3+s23+$0x0] =	vst.idx.msk @!p0 $0xffff, v4  }
0xf4: {  	v3 =	vld @!p0 [tilespmem:$0x182A0];
	_ =	sdelay $0x7  }
0xf5: {  	[tilespmem:v3+s23+$0x0] =	vst.idx.msk @!p0 $0xffff, v4  }
0xf6: {  	v3 =	vld @!p0 [tilespmem:$0x18230];
	_ =	sdelay $0x7  }
0xf7: {  	[tilespmem:v3+s23+$0x0] =	vst.idx.msk @!p0 $0xffff, v4  }
0xf8: {  	v3 =	vld @!p0 [tilespmem:$0x182B0];
	_ =	sdelay $0x7  }
0xf9: {  	[tilespmem:v3+s23+$0x0] =	vst.idx.msk @!p0 $0xffff, v4  }
0xfa: {  	v3 =	vld @!p0 [tilespmem:$0x18240];
	_ =	sdelay $0x7  }
0xfb: {  	[tilespmem:v3+s23+$0x0] =	vst.idx.msk @!p0 $0xffff, v4  }
0xfc: {  	v3 =	vld @!p0 [tilespmem:$0x182C0];
	_ =	sdelay $0x7  }
0xfd: {  	[tilespmem:v3+s23+$0x0] =	vst.idx.msk @!p0 $0xffff, v4  }
0xfe: {  	v3 =	vld @!p0 [tilespmem:$0x18250];
	_ =	sdelay $0x7  }
0xff: {  	[tilespmem:v3+s23+$0x0] =	vst.idx.msk @!p0 $0xffff, v4  }
0x100: {  	v3 =	vld @!p0 [tilespmem:$0x182D0];
	_ =	sdelay $0x7  }
0x101: {  	[tilespmem:v3+s23+$0x0] =	vst.idx.msk @!p0 $0xffff, v4  }
0x102: {  	v3 =	vld @!p0 [tilespmem:$0x18260];
	_ =	sdelay $0x7  }
0x103: {  	[tilespmem:v3+s23+$0x0] =	vst.idx.msk @!p0 $0xffff, v4  }
0x104: {  	v3 =	vld @!p0 [tilespmem:$0x182E0];
	_ =	sdelay $0x7  }
0x105: {  	[tilespmem:v3+s23+$0x0] =	vst.idx.msk @!p0 $0xffff, v4  }
0x106: {  	v3 =	vld @!p0 [tilespmem:$0x18270];
	_ =	sdelay $0x7  }
0x107: {  	[tilespmem:v3+s23+$0x0] =	vst.idx.msk @!p0 $0xffff, v4  }
0x108: {  	v3 =	vld @!p0 [tilespmem:$0x182F0];
	_ =	sdelay $0x7  }
0x109: {  	[tilespmem:v3+s23+$0x0] =	vst.idx.msk @!p0 $0xffff, v4  }
0x10a: {  	v3 =	vld [tilespmem:s18+$0x0];
	_ =	sdelay $0x4  }
0x10b: {  	v3 =	vmax.f32 v3, $-1.000000000e+01  }
0x10c: {  	v3 =	vmin.f32 v3, $1.000000000e+01  }
0x10d: {  	v3 =	vadd.f32 $1.000000000e+01, v3;
	_ =	sdelay $0x1  }
0x10e: {  	v5 =	vmul.f32 v3, v0;
	_ =	sdelay $0x1  }
0x10f: {  	v3 =	vtrunc.f32 v5  }
0x110: {  	v3 =	vcvt.f32.s32 v3  }
0x111: {  	s31 =	simm.s32 $0x0  }
0x112: {  	v4 =	vadd.s32 s31, v3  }
0x113: {  	v4 =	vadd.s32 v2, v4  }
0x114: {  	v6 =	vcvt.s32.f32 v3;
	v3 =	vadd.s32 $0x1, v4;
	_ =	sdelay $0x1  }
0x115: {  	v6 =	vsub.f32 v5, v6  }
0x116: {  	vm0 =	vlt.f32 v5, $5.000000000e+01  }
0x117: {  	v5 =	vsub.f32 $1.000000000e+00, v6;
	v6 =	vnsel vm0, $0x0, v6  }
0x118: {  	s24 =	simm.s32 $0x18280;
	s25 =	simm.s32 $0x800;
	[tilespmem:v3+s9+$0x0] =	vst.idx.msk $0xffff, v6  }
0x119: {  	s26 =	simm.s32 $0x18280;
	s28 =	smov.u32 s18;
	s23 =	sor.u32 $0x2, s22;
	[tilespmem:v4+s9+$0x0] =	vst.idx.msk $0xffff, v5  }
.LBB2_15:
0x11a: {  	p1 =	sne.s32 s25, $0x3800;
	[tilespmem:s24+$0xFFFFFF80] =	vst v4;
	s26 =	sadd.s32 $0x10, s26;
	s28 =	sadd.s32 $0x10, s28  }
0x11b: {  	s29 =	smov.u32 s25;
	s25 =	sadd.s32 $0x800, s25;
	[tilespmem:s24+$0x0] =	vst v3;
	s24 =	smov.u32 s26  }
0x11c: {  	v3 =	vld [tilespmem:s28+$0x0];
	_ =	sdelay $0x4  }
0x11d: {  	v3 =	vmax.f32 v3, $-1.000000000e+01  }
0x11e: {  	v3 =	vmin.f32 v3, $1.000000000e+01  }
0x11f: {  	v3 =	vadd.f32 $1.000000000e+01, v3;
	_ =	sdelay $0x1  }
0x120: {  	v5 =	vmul.f32 v3, v0;
	_ =	sdelay $0x1  }
0x121: {  	v3 =	vtrunc.f32 v5  }
0x122: {  	v3 =	vcvt.f32.s32 v3;
	_ =	sdelay $0x1  }
0x123: {  	v6 =	vcvt.s32.f32 v3;
	v3 =	vadd.s32 s29, v3  }
0x124: {  	v4 =	vadd.s32 v2, v3  }
0x125: {  	v6 =	vsub.f32 v5, v6;
	v3 =	vadd.s32 $0x1, v4;
	_ =	sdelay $0x1  }
.Ltmp6:
0x126: {  	(pc) =	sbr.rel @p1 .LBB2_15-.Ltmp6, $4  }
0x127: {  	vm0 =	vlt.f32 v5, $5.000000000e+01  }
0x128: {  	v5 =	vsub.f32 $1.000000000e+00, v6;
	v6 =	vnsel vm0, $0x0, v6  }
0x129: {  	[tilespmem:v3+s9+$0x0] =	vst.idx.msk $0xffff, v6  }
0x12a: {  	[tilespmem:v4+s9+$0x0] =	vst.idx.msk $0xffff, v5  }
0x12b: {  	[tilespmem:s24+$0xFFFFFF80] =	vst v4;
	s23 =	sshll.u32 s23, $0xB  }
0x12c: {  	[tilespmem:s24+$0x0] =	vst v3;
	s23 =	sadd.s32 s23, s4  }
0x12d: {  	[hbm4b:s23+s1] =	stream.linear.scatter [tilespmem:s9], [sflag:$0x3], $0x4000, $0x38;
	[tilespmem:$0x18400] =	vst v63  }
0x12e: {  	s23 =	simm.s32 @!p0 $0x4  }
0x12f: {  	_ =	swait.ge @!p0 [sflag:s23], $0x4000  }
0x130: {  	[sflag:s23] =	ssyncset.done @!p0 $0x0  }
0x131: {  	[sflag:s23] =	ssyncadd.s32 @!p0 $0xFFFFC000  }
0x132: {  	v3 =	vld @!p0 [tilespmem:$0x18300];
	_ =	sdelay $0x6  }
0x133: {  	v4 =	vimm.f32 @!p0 $0.0e+00;
	s23 =	simm.s32 @!p0 $0x14000  }
0x134: {  	[tilespmem:v3+s23+$0x0] =	vst.idx.msk @!p0 $0xffff, v4  }
0x135: {  	v3 =	vld @!p0 [tilespmem:$0x18380];
	_ =	sdelay $0x7  }
0x136: {  	[tilespmem:v3+s23+$0x0] =	vst.idx.msk @!p0 $0xffff, v4  }
0x137: {  	v3 =	vld @!p0 [tilespmem:$0x18310];
	_ =	sdelay $0x7  }
0x138: {  	[tilespmem:v3+s23+$0x0] =	vst.idx.msk @!p0 $0xffff, v4  }
0x139: {  	v3 =	vld @!p0 [tilespmem:$0x18390];
	_ =	sdelay $0x7  }
0x13a: {  	[tilespmem:v3+s23+$0x0] =	vst.idx.msk @!p0 $0xffff, v4  }
0x13b: {  	v3 =	vld @!p0 [tilespmem:$0x18320];
	_ =	sdelay $0x7  }
0x13c: {  	[tilespmem:v3+s23+$0x0] =	vst.idx.msk @!p0 $0xffff, v4  }
0x13d: {  	v3 =	vld @!p0 [tilespmem:$0x183A0];
	_ =	sdelay $0x7  }
0x13e: {  	[tilespmem:v3+s23+$0x0] =	vst.idx.msk @!p0 $0xffff, v4  }
0x13f: {  	v3 =	vld @!p0 [tilespmem:$0x18330];
	_ =	sdelay $0x7  }
0x140: {  	[tilespmem:v3+s23+$0x0] =	vst.idx.msk @!p0 $0xffff, v4  }
0x141: {  	v3 =	vld @!p0 [tilespmem:$0x183B0];
	_ =	sdelay $0x7  }
0x142: {  	[tilespmem:v3+s23+$0x0] =	vst.idx.msk @!p0 $0xffff, v4  }
0x143: {  	v3 =	vld @!p0 [tilespmem:$0x18340];
	_ =	sdelay $0x7  }
0x144: {  	[tilespmem:v3+s23+$0x0] =	vst.idx.msk @!p0 $0xffff, v4  }
0x145: {  	v3 =	vld @!p0 [tilespmem:$0x183C0];
	_ =	sdelay $0x7  }
0x146: {  	[tilespmem:v3+s23+$0x0] =	vst.idx.msk @!p0 $0xffff, v4  }
0x147: {  	v3 =	vld @!p0 [tilespmem:$0x18350];
	_ =	sdelay $0x7  }
0x148: {  	[tilespmem:v3+s23+$0x0] =	vst.idx.msk @!p0 $0xffff, v4  }
0x149: {  	v3 =	vld @!p0 [tilespmem:$0x183D0];
	_ =	sdelay $0x7  }
0x14a: {  	[tilespmem:v3+s23+$0x0] =	vst.idx.msk @!p0 $0xffff, v4  }
0x14b: {  	v3 =	vld @!p0 [tilespmem:$0x18360];
	_ =	sdelay $0x7  }
0x14c: {  	[tilespmem:v3+s23+$0x0] =	vst.idx.msk @!p0 $0xffff, v4  }
0x14d: {  	v3 =	vld @!p0 [tilespmem:$0x183E0];
	_ =	sdelay $0x7  }
0x14e: {  	[tilespmem:v3+s23+$0x0] =	vst.idx.msk @!p0 $0xffff, v4  }
0x14f: {  	v3 =	vld @!p0 [tilespmem:$0x18370];
	_ =	sdelay $0x7  }
0x150: {  	[tilespmem:v3+s23+$0x0] =	vst.idx.msk @!p0 $0xffff, v4  }
0x151: {  	v3 =	vld @!p0 [tilespmem:$0x183F0];
	_ =	sdelay $0x7  }
0x152: {  	[tilespmem:v3+s23+$0x0] =	vst.idx.msk @!p0 $0xffff, v4  }
0x153: {  	v3 =	vld [tilespmem:s19+$0x0];
	_ =	sdelay $0x4  }
0x154: {  	v3 =	vmax.f32 v3, $-1.000000000e+01  }
0x155: {  	v3 =	vmin.f32 v3, $1.000000000e+01  }
0x156: {  	v3 =	vadd.f32 $1.000000000e+01, v3;
	_ =	sdelay $0x1  }
0x157: {  	v5 =	vmul.f32 v3, v0;
	_ =	sdelay $0x1  }
0x158: {  	v3 =	vtrunc.f32 v5  }
0x159: {  	v3 =	vcvt.f32.s32 v3  }
0x15a: {  	s31 =	simm.s32 $0x0  }
0x15b: {  	v4 =	vadd.s32 s31, v3  }
0x15c: {  	v4 =	vadd.s32 v2, v4  }
0x15d: {  	v6 =	vcvt.s32.f32 v3;
	v3 =	vadd.s32 $0x1, v4;
	_ =	sdelay $0x1  }
0x15e: {  	v6 =	vsub.f32 v5, v6  }
0x15f: {  	vm0 =	vlt.f32 v5, $5.000000000e+01  }
0x160: {  	v5 =	vsub.f32 $1.000000000e+00, v6;
	v6 =	vnsel vm0, $0x0, v6  }
0x161: {  	s22 =	sor.u32 $0x3, s22;
	s24 =	simm.s32 $0x800;
	[tilespmem:v3+s10+$0x0] =	vst.idx.msk $0xffff, v6  }
0x162: {  	s25 =	simm.s32 $0x18380;
	s26 =	smov.u32 s19;
	s23 =	simm.s32 $0x18380;
	[tilespmem:v4+s10+$0x0] =	vst.idx.msk $0xffff, v5  }
.LBB2_17:
0x163: {  	p0 =	sne.s32 s24, $0x3800;
	[tilespmem:s23+$0xFFFFFF80] =	vst v4;
	s25 =	sadd.s32 $0x10, s25;
	s26 =	sadd.s32 $0x10, s26  }
0x164: {  	s28 =	smov.u32 s24;
	s24 =	sadd.s32 $0x800, s24;
	[tilespmem:s23+$0x0] =	vst v3;
	s23 =	smov.u32 s25  }
0x165: {  	v3 =	vld [tilespmem:s26+$0x0];
	_ =	sdelay $0x4  }
0x166: {  	v3 =	vmax.f32 v3, $-1.000000000e+01  }
0x167: {  	v3 =	vmin.f32 v3, $1.000000000e+01  }
0x168: {  	v3 =	vadd.f32 $1.000000000e+01, v3;
	_ =	sdelay $0x1  }
0x169: {  	v5 =	vmul.f32 v3, v0;
	_ =	sdelay $0x1  }
0x16a: {  	v3 =	vtrunc.f32 v5  }
0x16b: {  	v3 =	vcvt.f32.s32 v3;
	_ =	sdelay $0x1  }
0x16c: {  	v6 =	vcvt.s32.f32 v3;
	v3 =	vadd.s32 s28, v3  }
0x16d: {  	v4 =	vadd.s32 v2, v3  }
0x16e: {  	v6 =	vsub.f32 v5, v6;
	v3 =	vadd.s32 $0x1, v4;
	_ =	sdelay $0x1  }
.Ltmp7:
0x16f: {  	(pc) =	sbr.rel @p0 .LBB2_17-.Ltmp7, $4  }
0x170: {  	vm0 =	vlt.f32 v5, $5.000000000e+01  }
0x171: {  	v5 =	vsub.f32 $1.000000000e+00, v6;
	v6 =	vnsel vm0, $0x0, v6  }
0x172: {  	[tilespmem:v3+s10+$0x0] =	vst.idx.msk $0xffff, v6  }
0x173: {  	[tilespmem:v4+s10+$0x0] =	vst.idx.msk $0xffff, v5  }
0x174: {  	s21 =	sadd.s32 $0x1, s21  }
0x175: {  	p0 =	sne.s32 s21, $0x40  }
.Ltmp8:
0x176: {  	_ = 	snop;
	(pc) =	sbr.rel @p0 .LBB2_10-.Ltmp8, $4  }
0x177: {  	_ = 	snop  }
0x178: {  	[tilespmem:s23+$0xFFFFFF80] =	vst v4;
	s22 =	sshll.u32 s22, $0xB;
	s20 =	sadd.s32 $0x200, s20;
	s17 =	sadd.s32 $0x200, s17  }
0x179: {  	[tilespmem:s23+$0x0] =	vst v3;
	s18 =	sadd.s32 $0x200, s18;
	s19 =	sadd.s32 $0x200, s19;
	s22 =	sadd.s32 s22, s4  }
0x17a: {  	[hbm4b:s22+s1] =	stream.linear.scatter [tilespmem:s10], [sflag:$0x4], $0x4000, $0x38;
	[tilespmem:$0x18400] =	vst v63  }
0x17b: {  	_ =	swait.ge [sflag:s11], $0x4000  }
0x17c: {  	[sflag:s11] =	ssyncset.done $0x0  }
0x17d: {  	[sflag:s11] =	ssyncadd.s32 $0xFFFFC000  }
0x17e: {  	_ =	swait.ge [sflag:s12], $0x4000  }
0x17f: {  	[sflag:s12] =	ssyncset.done $0x0  }
0x180: {  	s15 =	sadd.s32 $0x1, s15;
	[sflag:s12] =	ssyncadd.s32 $0xFFFFC000  }
0x181: {  	p0 =	sne.s32 s15, s5;
	_ =	swait.ge [sflag:s13], $0x4000  }
.Ltmp9:
0x182: {  	[sflag:s13] =	ssyncset.done $0x0;
	(pc) =	sbr.rel @p0 .LBB2_1-.Ltmp9, $4  }
0x183: {  	[sflag:s13] =	ssyncadd.s32 $0xFFFFC000  }
0x184: {  	_ =	swait.ge [sflag:s14], $0x4000  }
0x185: {  	[sflag:s14] =	ssyncset.done $0x0  }
0x186: {  	[sflag:s14] =	ssyncadd.s32 $0xFFFFC000  }
0x187: {  	_ =	sfence.sel $0x180000  }
0x188: {  	[bflag:$0x0] =	sbarrier.arrive $0xFFFF  }
0x189: {  	p0 =	sne.s32 s2, $0x0;
	_ =	strace $0x90000047  }
0x18a: {  	s0 =	sadd.s32 @!p0 $0x100000, s0;
	[bflag:$0x2] =	sbarrier.arrive $0xFFFF  }
0x18b: {  	[sflag:s0] =	ssyncadd.tile.s32 @!p0 $0x1;
	_ =	shalt  }
.Lfunc_end2:
_tile_overlayer_lowered:
.L_overlay_start_2:
0x18c: {  	(tag) =	ssettag $0x2  }
0x18d: {  	s0 =	rddreg [dreg:$0x0];
	s2 =	stileid.u32  }
0x18e: {  	s1 =	rddreg [dreg:$0x1];
	p0 =	sne.s32 s2, $0x0  }
0x18f: {  	s3 =	rddreg [dreg:$0x2];
	[bflag:$0x3] =	sbarrier.arrive $0xFFFF;
	s2 =	simm.s32 @!p0 $0x1C05  }
0x190: {  	[timem:s3], [sflag:s2] =	dma.local @!p0 [hbm:s0], s1  }
0x191: {  	s0 =	simm.s32 @!p0 $0x5  }
0x192: {  	_ =	swait.ge @!p0 [sflag:s0], s1  }
0x193: {  	s1 =	ssub.s32 @!p0 $0x0, s1;
	[sflag:s0] =	ssyncset.done @!p0 $0x0  }
0x194: {  	[sflag:s0] =	ssyncadd.s32 @!p0 s1  }
0x195: {  	[bflag:$0x3] =	sbarrier.arrive $0xFFFF  }
0x196: {  	_ =	shalt  }

// kernel: sparse-core-data-format-call.cloned.1.call-start
scs
called_computation_lowered:
.L_overlay_start_0:
0x0: {  	s2 =	sld [smem:$0x3FD9]  }
0x1: {  	s3 =	sld [smem:$0x3FFE];
	_ =	sdelay $0x1  }
0x2: {  	s1 =	srdreg.scid  }
0x3: {  	s0 =	sand.u32 $0x1, s1  }
0x4: {  	s18 =	sshll.u32 s0, $0xA;
	s2 =	sadd.s32 s3, s2  }
0x5: {  	s2 =	sadd.s32 s2, s18  }
0x6: {  	[smem:$0x3FC7] =	sst s2  }
0x7: {  	_ = 	snop  }
0x8: {  	s2 =	sld [smem:$0x3FD0];
	(tm) =	ssettm $0x1  }
0x9: {  	s19 =	sld [smem:$0x3FFB];
	_ =	sdelay $0x3  }
0xa: {  	_ =	strace s19  }
0xb: {  	s3 =	sld [smem:$0x3FFC];
	_ =	sdelay $0x3  }
0xc: {  	_ =	strace s3  }
0xd: {  	s3 =	sld [smem:$0x3FFD];
	_ =	sdelay $0x3  }
0xe: {  	_ =	strace s3  }
0xf: {  	_ =	strace $0x8FFFFFFF  }
0x10: {  	s20 =	sld [smem:$0x3FDB];
	_ =	sdelay $0x1  }
0x11: {  	s4 =	simm.s32 $_scs_section_size  }
0x12: {  	s5 =	simm.s32 $_size__tile_overlayer_lowered;
	s6 =	simm.s32 $_tile_overlayer_lowered  }
0x13: {  	s23 =	simm.s32 $0x1BFF;
	s22 =	sshll.u32 s6, $0x1;
	s3 =	sadd.s32 s4, s20  }
0x14: {  	s7 =	simm.s32 $0x0;
	s21 =	sshll.u32 s5, $0x1;
	s5 =	sadd.s32 s22, s3  }
0x15: {  	[timem:s7], [sflag:s23] =	dma.local [hbm:s5], s21  }
0x16: {  	_ =	swait.ge [sflag:s23], s21  }
0x17: {  	s4 =	ssub.s32 $0x0, s21;
	[sflag:s23] =	ssyncset.done $0x0  }
0x18: {  	[sflag:s23] =	ssyncadd.s32 s4;
	_ =	sdelay $0x1  }
0x19: {  	s24 =	simm.s32 $0x1B8B  }
0x1a: {  	_ =	swait.ge [sflag:s24], $0x1  }
0x1b: {  	[sflag:s24] =	ssyncset.done $0x0  }
0x1c: {  	s26 =	simm.s32 $0x1B8E;
	s25 =	sld [smem:$0x3FFE];
	[sflag:s24] =	ssyncadd.s32 $0xFFFFFFFF  }
0x1d: {  	s27 =	simm.s32 $execute0_lowered;
	[smem:$0x3FD2] =	sst s26  }
0x1e: {  	s5 =	sshll.u32 s27, $0x1;
	_ =	strace $0x80000049;
	[dreg:$0x1] =	wrdreg $0xFFFFFFFF  }
0x1f: {  	s28 =	simm.s32 $_size_execute0_lowered;
	s3 =	sadd.s32 s3, s5;
	[dreg:$0x0] =	wrdreg $0x0  }
0x20: {  	s5 =	sshll.u32 s28, $0x1;
	[dreg:$0x2] =	wrdreg s3  }
0x21: {  	[dreg:$0x3] =	wrdreg s5  }
0x22: {  	[dreg:$0x4] =	wrdreg $0xC0  }
0x23: {  	_ =	task [dreg:s7], $0x5FFFF  }
0x24: {  	[dreg:$0x1] =	wrdreg $0xFFFFFFFF  }
0x25: {  	[dreg:$0x0] =	wrdreg $0x60  }
0x26: {  	[dreg:$0x2] =	wrdreg s25  }
0x27: {  	[dreg:$0x3] =	wrdreg s2  }
0x28: {  	[dreg:$0x4] =	wrdreg $0x9  }
0x29: {  	_ =	task.clear_ibuf [dreg:s7], $0x5FFFF;
	_ =	strace $0x90000049  }
0x2a: {  	s29 =	simm.s32 $0x9;
	_ =	strace $0x8000004B  }
0x2b: {  	_ =	swait.ge [sflag:s29], $0x1  }
0x2c: {  	[sflag:s29] =	ssyncadd.s32 $0xFFFFFFFF  }
0x2d: {  	_ =	strace $0x9000004B  }
0x2e: {  	_ =	sfence  }
0x2f: {  	s30 =	sld [smem:$0x0];
	_ =	sdelay $0x2  }
0x30: {  	s31 =	sshll.u32 s1, $0xD;
	s1 =	sshrl.u32 s1, $0x2  }
0x31: {  	s3 =	sand.u32 $0x4000, s31;
	s1 =	sadd.s32 s1, s30  }
0x32: {  	s0 =	sor.u32 s3, s0;
	s1 =	sshll.u32 s1, $0x11  }
0x33: {  	s0 =	sor.u32 s1, s0  }
0x34: {  	s0 =	sadd.s32 $0x8F2B, s0  }
0x35: {  	[sflag:s0] =	ssyncadd.remote.s32 $0x1  }
0x36: {  	_ =	sfence.sel $0xFFFF  }
0x37: {  	[dreg:$0x0] =	wrdreg $0xFFFFFFFF;
	(pc) =	sbr.abs _section_cstart, $3  }
0x38: {  	[dreg:$0x1] =	wrdreg $0xFFFFFFFF  }
0x39: {  	_ =	task.clear_ibuf [dreg:s7], $0x2FFFF;
	_ =	strace $0x9FFFFFFF  }
0x3a: {  	(tm) =	ssettm $0x7FFFFFFF  }
0x3b: {  	_ =	shalt  }
tec
execute0_lowered:
.L_overlay_start_1:
0x0: {  	(tag) =	ssettag $0x1  }
0x1: {  	s0 =	srdreg.scid  }
0x2: {  	s5 =	rddreg [dreg:$0x0];
	s1 =	sshll.u32 s0, $0x4  }
0x3: {  	s2 =	rddreg [dreg:$0x1];
	s0 =	stileid.u32;
	s1 =	sand.u32 $0x10, s1  }
0x4: {  	s4 =	simm.s32 $0x1;
	s8 =	simm.s32 $0x2;
	s1 =	sor.u32 s0, s1  }
0x5: {  	s12 =	simm.s32 $0x0;
	s9 =	simm.s32 $0x0;
	s3 =	sshll.u32 s1, $0x7  }
0x6: {  	s11 =	simm.s32 $0x0;
	s5 =	sadd.s32 $0x800, s5;
	s6 =	ssub.s32 $0x100000, s3  }
.Ltmp0:
0x7: {  	s1 =	rddreg [dreg:$0x2];
	s7 =	sand.u32 $0xF80, s6;
	(pc) =	sbr.rel .LBB1_1-.Ltmp0, $4  }
0x8: {  	_ =	strace $0x8000004A;
	p0 =	sne.s32 s7, $0x0;
	s7 =	simm.s32 $0x1  }
0x9: {  	[sflag:s4] =	ssyncpa.u1 $0x0;
	s6 =	sshrl.u32 s6, $0xC;
	s7 =	simm.s32 @!p0 $0x0  }
0xa: {  	s10 =	smov.u32 s3;
	[sflag:s8] =	ssyncpa.u1 $0x0;
	s6 =	sadd.s32 s7, s6  }
0xb: {  	s8 =	simm.s32 $0x800000;
	p0 =	por $0x0, $0x0;
	s7 =	sadd.s32 $0x1, s6  }
.LBB1_4:
0xc: {  	s15 =	sshll.u32 s9, $0x3  }
0xd: {  	p1 =	sgt.s32 s9, $0xFFF80;
	s18 =	smov.u32 s9;
	s16 =	sshrl.u32 s15, $0x14  }
0xe: {  	s19 =	sshra.s32 s9, $0x1F;
	s28 =	sand.u32 $0x78, s9;
	s17 =	smul.u32 $0x925, s16  }
0xf: {  	s29 =	sand.u32 $0x7, s9;
	s18 =	simm.s32 @!p1 $0xFFF80;
	s19 =	sand.u32 s19, s9  }
0x10: {  	s15 =	sand.u32 $0xFFC00, s15;
	s18 =	ssub.s32 s18, s19;
	s17 =	sshrl.u32 s17, $0x11  }
0x11: {  	s15 =	sor.u32 s28, s15;
	s20 =	ssub.s32 $0x100000, s18;
	s17 =	smul.u32 $0x38, s17  }
0x12: {  	s18 =	sadd.s32 $0xFFF00080, s18;
	s15 =	sshrl.u32 s15, $0x3;
	s20 =	smul.u32 $0xE0, s20  }
0x13: {  	[tilespmem:s14+$0x810 ss:$0x81] =	vst.msk $0xffff, v2;
	p1 =	sgt.s32 s18, $0x7F;
	s15 =	sadd.s32 s2, s15;
	s16 =	ssub.s32 s16, s17  }
0x14: {  	[tilespmem:s14+$0x1020 ss:$0x81] =	vst.msk $0xffff, v0;
	s18 =	sshll.u32 s29, $0x12;
	s17 =	sshrl.u32 s20, $0x2;
	s16 =	sshll.u32 s16, $0x11  }
0x15: {  	[tilespmem:s14+$0x0 ss:$0x81] =	vst.msk $0xffff, v1;
	s31 =	sor.u32 $0x400, s18;
	s17 =	simm.s32 @p1 $0x0;
	s30 =	sadd.s32 s16, s15  }
0x16: {  	[hbm4b:s30+s31] =	stream.strided.scatter [tilespmem:s13], [sflag:$0x2], s17, s8, s31, $0x20;
	[tilespmem:$0x8080] =	vst v63  }
.LBB1_5:
0x17: {  	p1 =	slt.u32 s11, $0x2  }
0x18: {  	p2 =	sgt.s32 @!p1 s12, $0xFFF80  }
0x19: {  	s13 =	smov.u32 s12;
	s14 =	sshra.s32 @!p1 s12, $0x1F;
	p2 =	por !p2, p1  }
0x1a: {  	s12 =	sand.u32 @!p1 s14, s12;
	s13 =	simm.s32 @p2 $0xFFF80  }
0x1b: {  	s12 =	ssub.s32 @!p1 s13, s12  }
0x1c: {  	s13 =	ssub.s32 @!p1 $0x100000, s12  }
0x1d: {  	s12 =	sadd.s32 @!p1 $0xFFF00080, s12;
	s13 =	smul.u32 @!p1 $0xE0, s13  }
0x1e: {  	p2 =	sgt.s32 @!p1 s12, $0x7F  }
0x1f: {  	s14 =	sadd.s32 $0x1000, s10;
	p2 =	por !p2, p1;
	s12 =	sshrl.u32 @!p1 s13, $0x2  }
0x20: {  	s12 =	simm.s32 @!p2 $0x0;
	p2 =	sgt.s32 s14, $0xFFFFF  }
0x21: {  	s14 =	smov.u32 @p2 s3;
	p2 =	sne.s32 s11, s7  }
.Ltmp1:
0x22: {  	_ = 	snop;
	(pc) =	sbr.rel @!p2 .LBB1_6-.Ltmp1, $4  }
0x23: {  	s13 =	simm.s32 @!p1 $0x2  }
0x24: {  	p0 =	por !p0, !p0;
	_ =	swait.ge @!p1 [sflag:s13], s12;
	s15 =	ssub.s32 @!p1 $0x0, s12  }
0x25: {  	s12 =	smov.u32 s9;
	s11 =	sadd.s32 $0x1, s11;
	[sflag:s13] =	ssyncset.done @!p1 $0x0  }
0x26: {  	s9 =	smov.u32 s10;
	s10 =	smov.u32 s14;
	[sflag:s13] =	ssyncadd.s32 @!p1 s15  }
.LBB1_1:
0x27: {  	p1 =	sge.u32 s11, s6  }
0x28: {  	s31 =	sadd.s32 $0xFFFFFFFF, s11;
	s13 =	sxor.u32 @!p1 $0xFFFFFFFF, s11;
	s14 =	sshll.u32 @!p1 s10, $0x4  }
0x29: {  	s15 =	simm.s32 @!p1 $0x40;
	s13 =	sshll.u32 @!p1 s13, $0xD;
	s14 =	sand.u32 @!p1 $0xFFFFF0, s14  }
0x2a: {  	s16 =	simm.s32 @!p1 $0x80;
	s13 =	sand.u32 @!p1 $0x2000, s13;
	s14 =	sadd.s32 @!p1 s5, s14  }
0x2b: {  	[tilespmem:s13], [sflag:$0x1] =	stream.strided.gather @!p1 [hbm4b:s14+s15], $0x2000, s16, s15, $0x38;
	[tilespmem:$0x8080] =	vst v63  }
0x2c: {  	p1 =	sge.u32 s31, s6  }
.Ltmp2:
0x2d: {  	_ = 	snop;
	(pc) =	sbr.rel @p1 .LBB1_5-.Ltmp2, $1  }
0x2e: {  	_ =	sdelay $0x3  }
0x2f: {  	s13 =	simm.s32 $0x1  }
0x30: {  	_ =	swait.ge [sflag:s4], $0x2000;
	s13 =	simm.s32 @!p0 $0x0  }
0x31: {  	[sflag:s4] =	ssyncset.done $0x0;
	s14 =	sshll.u32 s13, $0xD  }
0x32: {  	[sflag:s4] =	ssyncadd.s32 $0xFFFFE000;
	s17 =	sor.u32 $0x20, s14  }
0x33: {  	s13 =	smul.u32 $0x8100, s13;
	v3 =	vld [tilespmem:s17+$0x10]  }
0x34: {  	s30 =	sand.u32 $0x1, s11;
	v2 =	vld [tilespmem:s17+$0xFFFFFFF0]  }
0x35: {  	s14 =	smul.u32 $0x8100, s30;
	s13 =	sshrl.u32 s13, $0x2;
	v0 =	vld [tilespmem:s17+$0x0]  }
0x36: {  	v1 =	vld [tilespmem:s17+$0xFFFFFFE0];
	s15 =	sor.u32 $0x4000, s13  }
0x37: {  	s31 =	sshrl.u32 s14, $0x2;
	s14 =	sadd.s32 $0x0, s15  }
0x38: {  	s16 =	simm.s32 $0x4;
	s17 =	sadd.s32 $0x40, s17;
	s13 =	sor.u32 $0x4000, s31;
	[tilespmem:s14+$0x1830 ss:$0x81] =	vst.msk $0xffff, v3  }
.LBB1_3:
0x39: {  	v3 =	vld [tilespmem:s17+$0x10];
	p1 =	sne.s32 s16, $0x1FC;
	[tilespmem:s14+$0x810 ss:$0x81] =	vst.msk $0xffff, v2;
	s18 =	smov.u32 s16;
	s16 =	sadd.s32 $0x4, s16  }
.Ltmp3:
0x3a: {  	v2 =	vld [tilespmem:s17+$0xFFFFFFF0];
	[tilespmem:s14+$0x1020 ss:$0x81] =	vst.msk $0xffff, v0;
	(pc) =	sbr.rel @p1 .LBB1_3-.Ltmp3, $4  }
0x3b: {  	v0 =	vld [tilespmem:s17+$0x0];
	[tilespmem:s14+$0x0 ss:$0x81] =	vst.msk $0xffff, v1  }
0x3c: {  	s14 =	sshra.s32 s18, $0x2;
	v1 =	vld [tilespmem:s17+$0xFFFFFFE0]  }
0x3d: {  	s14 =	sadd.s32 s14, s15  }
0x3e: {  	s17 =	sadd.s32 $0x40, s17;
	[tilespmem:s14+$0x1830 ss:$0x81] =	vst.msk $0xffff, v3  }
.Ltmp4:
0x3f: {  	_ = 	snop;
	(pc) =	sbr.rel .LBB1_4-.Ltmp4, $1  }
0x40: {  	_ =	sdelay $0x3  }
.LBB1_6:
0x41: {  	_ =	sfence.sel $0x180000  }
0x42: {  	s2 =	simm.s32 $0x1;
	[bflag:$0x0] =	sbarrier.arrive $0xFFFF  }
0x43: {  	s31 =	simm.s32 $0x2;
	[sflag:s2] =	ssyncpa.u1 $0x1  }
0x44: {  	[sflag:s31] =	ssyncpa.u1 $0x1  }
0x45: {  	p0 =	sne.s32 s0, $0x0;
	_ =	strace $0x9000004A  }
0x46: {  	s0 =	sadd.s32 @!p0 $0x100000, s1;
	[bflag:$0x2] =	sbarrier.arrive $0xFFFF  }
0x47: {  	[sflag:s0] =	ssyncadd.tile.s32 @!p0 $0x1;
	_ =	shalt  }
.Lfunc_end1:
_tile_overlayer_lowered:
.L_overlay_start_2:
0x48: {  	(tag) =	ssettag $0x2  }
0x49: {  	s0 =	rddreg [dreg:$0x0];
	s2 =	stileid.u32  }
0x4a: {  	s1 =	rddreg [dreg:$0x1];
	p0 =	sne.s32 s2, $0x0  }
0x4b: {  	s3 =	rddreg [dreg:$0x2];
	[bflag:$0x3] =	sbarrier.arrive $0xFFFF;
	s2 =	simm.s32 @!p0 $0x1C01  }
0x4c: {  	[timem:s3], [sflag:s2] =	dma.local @!p0 [hbm:s0], s1  }
0x4d: {  	s0 =	simm.s32 @!p0 $0x1  }
0x4e: {  	_ =	swait.ge @!p0 [sflag:s0], s1  }
0x4f: {  	s1 =	ssub.s32 @!p0 $0x0, s1;
	[sflag:s0] =	ssyncset.done @!p0 $0x0  }
0x50: {  	[sflag:s0] =	ssyncadd.s32 @!p0 s1  }
0x51: {  	[bflag:$0x3] =	sbarrier.arrive $0xFFFF  }
0x52: {  	_ =	shalt  }

</sc_bundles>
